<compile_context>
chip_gen: v7x
topology: tpu7x:2x2x1
jax: 0.10.2.dev20260603
libtpu: 0.0.44.dev20260713+nightly
codegen_flags: <defaults>
</compile_context>

<pallas_src>
import functools

import jax
import jax.numpy as jnp
import numpy as np
from jax import lax
from jax.experimental import pallas as pl
from jax.experimental.pallas import tpu as pltpu
from jax.experimental.pallas import tpu_sc as plsc

N_NODES = 10000
N_EDGES = 320000
D = 128
DOUT = 256
NC = 2
NS = 16
NW = NC * NS
EPW = N_EDGES // NW
CHUNK = 40
NCHUNK = EPW // CHUNK
N_PAD = 10240
RPT = N_PAD // NS

def _pack(y):
    lo = jax.lax.bitcast_convert_type(
        y[:, :D].astype(jnp.bfloat16), jnp.uint16).astype(jnp.uint32)
    hi = jax.lax.bitcast_convert_type(
        y[:, D:].astype(jnp.bfloat16), jnp.uint16).astype(jnp.uint32)
    return (hi << 16) | lo



def _node_proj(sites, wa, wb, bcat):
    def body(s_ref, wa_ref, wb_ref, b_ref, u_ref, v_ref):
        s = s_ref[...]
        u_ref[...] = _pack(jnp.dot(s, wa_ref[...],
                                   preferred_element_type=jnp.float32)
                           + b_ref[...])
        v_ref[...] = _pack(jnp.dot(s, wb_ref[...],
                                   preferred_element_type=jnp.float32))
    blk = 1000
    return pl.pallas_call(
        body,
        grid=(N_NODES // blk,),
        in_specs=[
            pl.BlockSpec((blk, D), lambda i: (i, 0)),
            pl.BlockSpec((D, DOUT), lambda i: (0, 0)),
            pl.BlockSpec((D, DOUT), lambda i: (0, 0)),
            pl.BlockSpec((1, DOUT), lambda i: (0, 0)),
        ],
        out_specs=[
            pl.BlockSpec((blk, D), lambda i: (i, 0)),
            pl.BlockSpec((blk, D), lambda i: (i, 0)),
        ],
        out_shape=[jax.ShapeDtypeStruct((N_NODES, D), jnp.uint32)] * 2,
    )(sites, wa, wb, bcat)


def _bond_proj(bonds, wc):
    def body(b_ref, w_ref, c_ref):
        c_ref[...] = _pack(jnp.dot(b_ref[...], w_ref[...],
                                   preferred_element_type=jnp.float32))
    blk = 16000
    return pl.pallas_call(
        body,
        grid=(N_EDGES // blk,),
        in_specs=[
            pl.BlockSpec((blk, 16), lambda i: (i, 0)),
            pl.BlockSpec((16, DOUT), lambda i: (0, 0)),
        ],
        out_specs=pl.BlockSpec((blk, D), lambda i: (i, 0)),
        out_shape=jax.ShapeDtypeStruct((N_EDGES, D), jnp.uint32),
    )(bonds, wc)


def _combine(sites, partials):
    def body(s_ref, p_ref, o_ref):
        o_ref[...] = s_ref[...] + p_ref[0] + p_ref[1]
    blk = 1000
    return pl.pallas_call(
        body,
        grid=(N_NODES // blk,),
        in_specs=[
            pl.BlockSpec((blk, D), lambda i: (i, 0)),
            pl.BlockSpec((NC, blk, D), lambda i: (0, i, 0)),
        ],
        out_specs=pl.BlockSpec((blk, D), lambda i: (i, 0)),
        out_shape=jax.ShapeDtypeStruct((N_NODES, D), jnp.float32),
    )(sites, partials)



def _sc_edges(u_tab, v_tab, c_all, idx1, idx2, zeros):
    mesh = plsc.VectorSubcoreMesh(core_axis_name="c", subcore_axis_name="s")

    @functools.partial(
        pl.kernel,
        out_type=jax.ShapeDtypeStruct((NC, N_PAD, D), jnp.float32),
        mesh=mesh,
        scratch_types=[
            pltpu.VMEM((2, CHUNK), jnp.int32),
            pltpu.VMEM((2, CHUNK), jnp.int32),
            pltpu.VMEM((CHUNK,), jnp.int32),
            pltpu.VMEM((CHUNK,), jnp.int32),
            pltpu.VMEM((CHUNK, D), jnp.uint32),
            pltpu.VMEM((CHUNK, D), jnp.uint32),
            pltpu.VMEM((CHUNK, D), jnp.uint32),
            pltpu.VMEM((CHUNK, D), jnp.uint32),
            pltpu.VMEM((CHUNK, D), jnp.uint32),
            pltpu.VMEM((CHUNK, D), jnp.uint32),
            pltpu.VMEM((CHUNK, D), jnp.float32),
            pltpu.VMEM((CHUNK, D), jnp.float32),
            pltpu.VMEM_SHARED((N_PAD, D), jnp.float32),
            pltpu.SemaphoreType.DMA((2,)),
            pltpu.SemaphoreType.DMA((2,)),
            pltpu.SemaphoreType.DMA((2,)),
            pltpu.SemaphoreType.DMA((2,)),
            pltpu.SemaphoreType.DMA((2,)),
            pltpu.SemaphoreType.DMA((2,)),
        ],
    )
    def k(u_hbm, v_hbm, c_hbm, i1_hbm, i2_hbm, z_hbm, out_hbm,
          idx0, idx1v, sc0, sc1, u0, u1, v0, v1, c0, c1, m0, m1, accum,
          sem_i, sem_u, sem_v, sem_c, sem_s, sem_x):
        cid = lax.axis_index("c")
        sid = lax.axis_index("s")
        wid = cid * NS + sid
        base = wid * EPW
        rows0 = sid * RPT

        idx = (idx0, idx1v)
        scx = (sc0, sc1)
        ub = (u0, u1)
        vb = (v0, v1)
        cb = (c0, c1)
        mb = (m0, m1)

        pltpu.sync_copy(z_hbm, accum.at[pl.ds(rows0, RPT)])
        plsc.subcore_barrier()

        def issue_idx(j, p):
            off = pl.ds(base + j * CHUNK, CHUNK)
            pltpu.async_copy(i1_hbm.at[off], idx[p].at[0], sem_i.at[p])
            pltpu.async_copy(i2_hbm.at[off], idx[p].at[1], sem_i.at[p])

        def wait_idx(j, p):
            off = pl.ds(base + j * CHUNK, CHUNK)
            pltpu.make_async_copy(i1_hbm.at[off], idx[p].at[0],
                                  sem_i.at[p]).wait()
            pltpu.make_async_copy(i2_hbm.at[off], idx[p].at[1],
                                  sem_i.at[p]).wait()

        def issue_gathers(j, p):
            pltpu.async_copy(u_hbm.at[idx[p].at[0]], ub[p], sem_u.at[p])
            pltpu.async_copy(v_hbm.at[idx[p].at[1]], vb[p], sem_v.at[p])
            pltpu.async_copy(c_hbm.at[pl.ds(base + j * CHUNK, CHUNK)],
                             cb[p], sem_c.at[p])

        def wait_gathers(j, p):
            pltpu.make_async_copy(u_hbm.at[idx[p].at[0]], ub[p],
                                  sem_u.at[p]).wait()
            pltpu.make_async_copy(v_hbm.at[idx[p].at[1]], vb[p],
                                  sem_v.at[p]).wait()
            pltpu.make_async_copy(c_hbm.at[pl.ds(base + j * CHUNK, CHUNK)],
                                  cb[p], sem_c.at[p]).wait()

        def issue_scx(j, p):
            pltpu.async_copy(i1_hbm.at[pl.ds(base + j * CHUNK, CHUNK)],
                             scx[p], sem_x.at[p])

        def wait_scx(j, p):
            pltpu.make_async_copy(i1_hbm.at[pl.ds(base + j * CHUNK, CHUNK)],
                                  scx[p], sem_x.at[p]).wait()

        def issue_scatter(p):
            pltpu.async_copy(mb[p], accum.at[scx[p]], sem_s.at[p], add=True)

        def wait_scatter(p):
            pltpu.make_async_copy(mb[p], accum.at[scx[p]],
                                  sem_s.at[p]).wait()

        def compute(p):
            u_v, v_v, c_v, msg_v = ub[p], vb[p], cb[p], mb[p]
            ngrp = D // 16
            hmask = jnp.uint32(0xFFFF0000)

            def bc(x):
                return jax.lax.bitcast_convert_type(x, jnp.float32)

            @plsc.parallel_loop(0, CHUNK * ngrp, unroll=4)
            def _(i):
                r = lax.shift_right_logical(i, 3)
                sl = pl.ds(16 * lax.bitwise_and(i, ngrp - 1), 16)
                wu = u_v[r, sl]
                wv = v_v[r, sl]
                wc = c_v[r, sl]
                zs = bc(wu << 16) + bc(wv << 16) + bc(wc << 16)
                zt = bc(wu & hmask) + bc(wv & hmask) + bc(wc & hmask)
                gate = 1.0 / (1.0 + jnp.exp(zs))
                msg_v[r, sl] = gate * jnp.maximum(zt, 0.0)

        def step(j, p):
            @pl.when(j >= 2)
            def _():
                wait_scatter(p)
            issue_scx(j, p)
            wait_gathers(j, p)

            @pl.when(j + 2 < NCHUNK)
            def _():
                issue_idx(j + 2, p)

            @pl.when(j + 1 < NCHUNK)
            def _():
                wait_idx(j + 1, 1 - p)
                issue_gathers(j + 1, 1 - p)
            compute(p)
            wait_scx(j, p)
            issue_scatter(p)

        issue_idx(0, 0)
        issue_idx(1, 1)
        wait_idx(0, 0)
        issue_gathers(0, 0)

        def chunk_body(j, carry):
            @pl.when(lax.rem(j, 2) == 0)
            def _():
                step(j, 0)

            @pl.when(lax.rem(j, 2) == 1)
            def _():
                step(j, 1)
            return carry

        lax.fori_loop(0, NCHUNK, chunk_body, 0)
        wait_scatter(NCHUNK % 2)
        wait_scatter(1 - NCHUNK % 2)
        plsc.subcore_barrier()

        pltpu.sync_copy(accum.at[pl.ds(rows0, RPT)],
                        out_hbm.at[cid, pl.ds(rows0, RPT)])

    return k(u_tab, v_tab, c_all, idx1, idx2, zeros)



@jax.jit
def kernel(sites, bonds, indices1, indices2, W_sig, b_sig, W_soft, b_soft):
    wa = jnp.concatenate([-W_sig[:, :D], W_soft[:, :D]], axis=0).T
    wb = jnp.concatenate([-W_sig[:, D:2 * D], W_soft[:, D:2 * D]], axis=0).T
    wc = jnp.concatenate([-W_sig[:, 2 * D:], W_soft[:, 2 * D:]], axis=0).T
    bcat = jnp.concatenate([-b_sig, b_soft]).reshape(1, DOUT)

    u_tab, v_tab = _node_proj(sites, wa, wb, bcat)
    c_all = _bond_proj(bonds, wc)
    zeros = jnp.zeros((RPT, D), jnp.float32)
    partials = _sc_edges(u_tab, v_tab, c_all, indices1, indices2, zeros)
    return _combine(sites, partials)

# --- scband reference (transcript-rebuilt; emitter-appended) ---
"""Pipeline reference for scband-conv-layer-53549652246907 (READ-ONLY COPY).

The authoritative reference and input builder live on the scoring server;
editing this copy changes nothing except your own understanding.
"""

import jax, jax.numpy as jnp
import numpy as np

N_NODES = 10000
N_EDGES = 320000
SITE_LEN = 128
BOND_LEN = 16

def setup_inputs(seed: int = 0) -> dict:
    key = jax.random.key(seed)
    k1, k2, k3, k4, k5, k6, k7, k8 = jax.random.split(key, 8)
    sites = jax.random.normal(k1, (N_NODES, SITE_LEN), dtype=jnp.float32)
    bonds = jax.random.normal(k2, (N_EDGES, BOND_LEN), dtype=jnp.float32)
    indices1 = jax.random.randint(k3, (N_EDGES,), 0, N_NODES, dtype=jnp.int32)
    indices2 = jax.random.randint(k4, (N_EDGES,), 0, N_NODES, dtype=jnp.int32)
    in_dim = 2 * SITE_LEN + BOND_LEN
    bound = 1.0 / np.sqrt(in_dim)
    W_sig = jax.random.uniform(k5, (SITE_LEN, in_dim), minval=-bound, maxval=bound, dtype=jnp.float32)
    b_sig = jax.random.uniform(k6, (SITE_LEN,), minval=-bound, maxval=bound, dtype=jnp.float32)
    W_soft = jax.random.uniform(k7, (SITE_LEN, in_dim), minval=-bound, maxval=bound, dtype=jnp.float32)
    b_soft = jax.random.uniform(k8, (SITE_LEN,), minval=-bound, maxval=bound, dtype=jnp.float32)
    return {"sites": sites, "bonds": bonds, "indices1": indices1, "indices2": indices2,
            "W_sig": W_sig, "b_sig": b_sig, "W_soft": W_soft, "b_soft": b_soft}

def reference(sites, bonds, indices1, indices2, W_sig, b_sig, W_soft, b_soft):
    # gather endpoint features (torch.index_select)
    sites1 = jnp.take(sites, indices1, axis=0)
    sites2 = jnp.take(sites, indices2, axis=0)
    vectors = jnp.concatenate((sites1, sites2, bonds), axis=1)
    # batch_norm=False branch
    gate = jax.nn.sigmoid(vectors @ W_sig.T + b_sig)
    core = jax.nn.relu(vectors @ W_soft.T + b_soft)
    vectors = gate * core
    # scatter_add back to source nodes, residual connection
    agg = jax.ops.segment_sum(vectors, indices1, num_segments=sites.shape[0])
    return sites + agg

if __name__ == "__main__":
    import jax
    _d = setup_inputs()
    print(jax.jit(kernel)(*tuple(_d.values())))

</pallas_src>

<mosaic_0001>
#map = affine_map<(d0, d1) -> (0, 0)>
#map1 = affine_map<(d0, d1) -> (0)>
#map2 = affine_map<(d0, d1) -> (0, 0, 0)>
module attributes {stable_mosaic.version = 14 : i64} {
  func.func @k(%arg0: i32, %arg1: i32, %arg2: memref<10000x128xi32, #tpu.memory_space<hbm>>, %arg3: memref<10000x128xi32, #tpu.memory_space<hbm>>, %arg4: memref<320000x128xi32, #tpu.memory_space<hbm>>, %arg5: memref<320000xi32, #tpu.memory_space<hbm>>, %arg6: memref<320000xi32, #tpu.memory_space<hbm>>, %arg7: memref<640x128xf32, #tpu.memory_space<hbm>>, %arg8: memref<2x10240x128xf32, #tpu.memory_space<hbm>>, %arg9: memref<2x40xi32, #tpu.memory_space<vmem>>, %arg10: memref<2x40xi32, #tpu.memory_space<vmem>>, %arg11: memref<40xi32, #tpu.memory_space<vmem>>, %arg12: memref<40xi32, #tpu.memory_space<vmem>>, %arg13: memref<40x128xi32, #tpu.memory_space<vmem>>, %arg14: memref<40x128xi32, #tpu.memory_space<vmem>>, %arg15: memref<40x128xi32, #tpu.memory_space<vmem>>, %arg16: memref<40x128xi32, #tpu.memory_space<vmem>>, %arg17: memref<40x128xi32, #tpu.memory_space<vmem>>, %arg18: memref<40x128xi32, #tpu.memory_space<vmem>>, %arg19: memref<40x128xf32, #tpu.memory_space<vmem>>, %arg20: memref<40x128xf32, #tpu.memory_space<vmem>>, %arg21: memref<10240x128xf32, #tpu.memory_space<vmem_shared>>, %arg22: memref<2x!tpu.dma_semaphore, #tpu.memory_space<semaphore_mem>>, %arg23: memref<2x!tpu.dma_semaphore, #tpu.memory_space<semaphore_mem>>, %arg24: memref<2x!tpu.dma_semaphore, #tpu.memory_space<semaphore_mem>>, %arg25: memref<2x!tpu.dma_semaphore, #tpu.memory_space<semaphore_mem>>, %arg26: memref<2x!tpu.dma_semaphore, #tpu.memory_space<semaphore_mem>>, %arg27: memref<2x!tpu.dma_semaphore, #tpu.memory_space<semaphore_mem>>) attributes {dimension_semantics = [#tpu.dimension_semantics<core_parallel>, #tpu.dimension_semantics<subcore_parallel>], iteration_bounds = array<i64: 2, 16>, scalar_prefetch = 0 : i64, scratch_operands = 19 : i64, tpu.core_type = #tpu.core_type<sc_vector_subcore>, window_params = [{transform_indices = #map}, {transform_indices = #map}, {transform_indices = #map}, {transform_indices = #map1}, {transform_indices = #map1}, {transform_indices = #map}, {transform_indices = #map2}]} {
    %mul3A = arith.constant 16 : i32
    %mul3A_0 = arith.muli %arg0, %mul3A : i32
    %add3A = arith.addi %mul3A_0, %arg1 : i32
    %mul3A_1 = arith.constant 10000 : i32
    %mul3A_2 = arith.muli %add3A, %mul3A_1 : i32
    %mul3A_3 = arith.constant 640 : i32
    %mul3A_4 = arith.muli %arg1, %mul3A_3 : i32
    "tpu.region"() ({
      %run_scoped3A = tpu.sem_alloc : memref<!tpu.dma_semaphore, #tpu.memory_space<semaphore_mem>>
      %dma_start3A_128 = arith.constant 0 : i32
      %dma_start3A_129 = tpu.memref_slice %arg21[%mul3A_4, %dma_start3A_128] : memref<10240x128xf32, #tpu.memory_space<vmem_shared>> -> memref<640x128xf32, #tpu.memory_space<vmem_shared>>
      tpu.enqueue_dma source(%arg7 : memref<640x128xf32, #tpu.memory_space<hbm>>) target(%dma_start3A_129 : memref<640x128xf32, #tpu.memory_space<vmem_shared>>) target_semaphore(%run_scoped3A : memref<!tpu.dma_semaphore, #tpu.memory_space<semaphore_mem>>)
      %dma_wait3A_130 = arith.constant 0 : i32
      %dma_wait3A_131 = tpu.memref_slice %arg21[%mul3A_4, %dma_wait3A_130] : memref<10240x128xf32, #tpu.memory_space<vmem_shared>> -> memref<640x128xf32, #tpu.memory_space<vmem_shared>>
      tpu.wait_dma2 semaphore(%run_scoped3A : memref<!tpu.dma_semaphore, #tpu.memory_space<semaphore_mem>>) src(%arg7 : memref<640x128xf32, #tpu.memory_space<hbm>>) dst(%dma_wait3A_131 : memref<640x128xf32, #tpu.memory_space<vmem_shared>>)
      tpu.yield
    }) : () -> ()
    %barrier3A = arith.constant 0 : index
    tpu.barrier barrier_id(%barrier3A)
    %add3A_5 = arith.constant 0 : i32
    %add3A_6 = arith.addi %mul3A_2, %add3A_5 : i32
    %dma_start3A = arith.constant 0 : i32
    %dma_start3A_7 = arith.constant 0 : i32
    %dma_start3A_8 = arith.constant 0 : i32
    %dma_start3A_9 = tpu.memref_slice %arg9[%dma_start3A, %dma_start3A_8] : memref<2x40xi32, #tpu.memory_space<vmem>> -> memref<1x40xi32, #tpu.memory_space<vmem>>
    %dma_start3A_10 = tpu.memref_squeeze %dma_start3A_9 : memref<1x40xi32, #tpu.memory_space<vmem>> -> memref<40xi32, #tpu.memory_space<vmem>>
    %dma_start3A_11 = tpu.memref_slice %arg5[%add3A_6] : memref<320000xi32, #tpu.memory_space<hbm>> -> memref<40xi32, #tpu.memory_space<hbm>>
    %dma_start3A_12 = tpu.memref_slice %arg22[%dma_start3A_7] : memref<2x!tpu.dma_semaphore, #tpu.memory_space<semaphore_mem>> -> memref<1x!tpu.dma_semaphore, #tpu.memory_space<semaphore_mem>>
    %dma_start3A_13 = tpu.memref_squeeze %dma_start3A_12 : memref<1x!tpu.dma_semaphore, #tpu.memory_space<semaphore_mem>> -> memref<!tpu.dma_semaphore, #tpu.memory_space<semaphore_mem>>
    %dma_start3A_14 = arith.constant 0 : i32
    %dma_start3A_15 = tpu.memref_slice %arg9[%dma_start3A, %dma_start3A_14] : memref<2x40xi32, #tpu.memory_space<vmem>> -> memref<1x40xi32, #tpu.memory_space<vmem>>
    %dma_start3A_16 = tpu.memref_squeeze %dma_start3A_15 : memref<1x40xi32, #tpu.memory_space<vmem>> -> memref<40xi32, #tpu.memory_space<vmem>>
    %dma_start3A_17 = tpu.memref_slice %arg5[%add3A_6] : memref<320000xi32, #tpu.memory_space<hbm>> -> memref<40xi32, #tpu.memory_space<hbm>>
    tpu.enqueue_dma source(%dma_start3A_17 : memref<40xi32, #tpu.memory_space<hbm>>) target(%dma_start3A_16 : memref<40xi32, #tpu.memory_space<vmem>>) target_semaphore(%dma_start3A_13 : memref<!tpu.dma_semaphore, #tpu.memory_space<semaphore_mem>>)
    %dma_start3A_18 = arith.constant 1 : i32
    %dma_start3A_19 = arith.constant 0 : i32
    %dma_start3A_20 = arith.constant 0 : i32
    %dma_start3A_21 = tpu.memref_slice %arg9[%dma_start3A_18, %dma_start3A_20] : memref<2x40xi32, #tpu.memory_space<vmem>> -> memref<1x40xi32, #tpu.memory_space<vmem>>
    %dma_start3A_22 = tpu.memref_squeeze %dma_start3A_21 : memref<1x40xi32, #tpu.memory_space<vmem>> -> memref<40xi32, #tpu.memory_space<vmem>>
    %dma_start3A_23 = tpu.memref_slice %arg6[%add3A_6] : memref<320000xi32, #tpu.memory_space<hbm>> -> memref<40xi32, #tpu.memory_space<hbm>>
    %dma_start3A_24 = tpu.memref_slice %arg22[%dma_start3A_19] : memref<2x!tpu.dma_semaphore, #tpu.memory_space<semaphore_mem>> -> memref<1x!tpu.dma_semaphore, #tpu.memory_space<semaphore_mem>>
    %dma_start3A_25 = tpu.memref_squeeze %dma_start3A_24 : memref<1x!tpu.dma_semaphore, #tpu.memory_space<semaphore_mem>> -> memref<!tpu.dma_semaphore, #tpu.memory_space<semaphore_mem>>
    %dma_start3A_26 = arith.constant 0 : i32
    %dma_start3A_27 = tpu.memref_slice %arg9[%dma_start3A_18, %dma_start3A_26] : memref<2x40xi32, #tpu.memory_space<vmem>> -> memref<1x40xi32, #tpu.memory_space<vmem>>
    %dma_start3A_28 = tpu.memref_squeeze %dma_start3A_27 : memref<1x40xi32, #tpu.memory_space<vmem>> -> memref<40xi32, #tpu.memory_space<vmem>>
    %dma_start3A_29 = tpu.memref_slice %arg6[%add3A_6] : memref<320000xi32, #tpu.memory_space<hbm>> -> memref<40xi32, #tpu.memory_space<hbm>>
    tpu.enqueue_dma source(%dma_start3A_29 : memref<40xi32, #tpu.memory_space<hbm>>) target(%dma_start3A_28 : memref<40xi32, #tpu.memory_space<vmem>>) target_semaphore(%dma_start3A_25 : memref<!tpu.dma_semaphore, #tpu.memory_space<semaphore_mem>>)
    %add3A_30 = arith.constant 40 : i32
    %add3A_31 = arith.addi %mul3A_2, %add3A_30 : i32
    %dma_start3A_32 = arith.constant 0 : i32
    %dma_start3A_33 = arith.constant 1 : i32
    %dma_start3A_34 = arith.constant 0 : i32
    %dma_start3A_35 = tpu.memref_slice %arg10[%dma_start3A_32, %dma_start3A_34] : memref<2x40xi32, #tpu.memory_space<vmem>> -> memref<1x40xi32, #tpu.memory_space<vmem>>
    %dma_start3A_36 = tpu.memref_squeeze %dma_start3A_35 : memref<1x40xi32, #tpu.memory_space<vmem>> -> memref<40xi32, #tpu.memory_space<vmem>>
    %dma_start3A_37 = tpu.memref_slice %arg5[%add3A_31] : memref<320000xi32, #tpu.memory_space<hbm>> -> memref<40xi32, #tpu.memory_space<hbm>>
    %dma_start3A_38 = tpu.memref_slice %arg22[%dma_start3A_33] : memref<2x!tpu.dma_semaphore, #tpu.memory_space<semaphore_mem>> -> memref<1x!tpu.dma_semaphore, #tpu.memory_space<semaphore_mem>>
    %dma_start3A_39 = tpu.memref_squeeze %dma_start3A_38 : memref<1x!tpu.dma_semaphore, #tpu.memory_space<semaphore_mem>> -> memref<!tpu.dma_semaphore, #tpu.memory_space<semaphore_mem>>
    %dma_start3A_40 = arith.constant 0 : i32
    %dma_start3A_41 = tpu.memref_slice %arg10[%dma_start3A_32, %dma_start3A_40] : memref<2x40xi32, #tpu.memory_space<vmem>> -> memref<1x40xi32, #tpu.memory_space<vmem>>
    %dma_start3A_42 = tpu.memref_squeeze %dma_start3A_41 : memref<1x40xi32, #tpu.memory_space<vmem>> -> memref<40xi32, #tpu.memory_space<vmem>>
    %dma_start3A_43 = tpu.memref_slice %arg5[%add3A_31] : memref<320000xi32, #tpu.memory_space<hbm>> -> memref<40xi32, #tpu.memory_space<hbm>>
    tpu.enqueue_dma source(%dma_start3A_43 : memref<40xi32, #tpu.memory_space<hbm>>) target(%dma_start3A_42 : memref<40xi32, #tpu.memory_space<vmem>>) target_semaphore(%dma_start3A_39 : memref<!tpu.dma_semaphore, #tpu.memory_space<semaphore_mem>>)
    %dma_start3A_44 = arith.constant 1 : i32
    %dma_start3A_45 = arith.constant 1 : i32
    %dma_start3A_46 = arith.constant 0 : i32
    %dma_start3A_47 = tpu.memref_slice %arg10[%dma_start3A_44, %dma_start3A_46] : memref<2x40xi32, #tpu.memory_space<vmem>> -> memref<1x40xi32, #tpu.memory_space<vmem>>
    %dma_start3A_48 = tpu.memref_squeeze %dma_start3A_47 : memref<1x40xi32, #tpu.memory_space<vmem>> -> memref<40xi32, #tpu.memory_space<vmem>>
    %dma_start3A_49 = tpu.memref_slice %arg6[%add3A_31] : memref<320000xi32, #tpu.memory_space<hbm>> -> memref<40xi32, #tpu.memory_space<hbm>>
    %dma_start3A_50 = tpu.memref_slice %arg22[%dma_start3A_45] : memref<2x!tpu.dma_semaphore, #tpu.memory_space<semaphore_mem>> -> memref<1x!tpu.dma_semaphore, #tpu.memory_space<semaphore_mem>>
    %dma_start3A_51 = tpu.memref_squeeze %dma_start3A_50 : memref<1x!tpu.dma_semaphore, #tpu.memory_space<semaphore_mem>> -> memref<!tpu.dma_semaphore, #tpu.memory_space<semaphore_mem>>
    %dma_start3A_52 = arith.constant 0 : i32
    %dma_start3A_53 = tpu.memref_slice %arg10[%dma_start3A_44, %dma_start3A_52] : memref<2x40xi32, #tpu.memory_space<vmem>> -> memref<1x40xi32, #tpu.memory_space<vmem>>
    %dma_start3A_54 = tpu.memref_squeeze %dma_start3A_53 : memref<1x40xi32, #tpu.memory_space<vmem>> -> memref<40xi32, #tpu.memory_space<vmem>>
    %dma_start3A_55 = tpu.memref_slice %arg6[%add3A_31] : memref<320000xi32, #tpu.memory_space<hbm>> -> memref<40xi32, #tpu.memory_space<hbm>>
    tpu.enqueue_dma source(%dma_start3A_55 : memref<40xi32, #tpu.memory_space<hbm>>) target(%dma_start3A_54 : memref<40xi32, #tpu.memory_space<vmem>>) target_semaphore(%dma_start3A_51 : memref<!tpu.dma_semaphore, #tpu.memory_space<semaphore_mem>>)
    %add3A_56 = arith.constant 0 : i32
    %add3A_57 = arith.addi %mul3A_2, %add3A_56 : i32
    %dma_wait3A = arith.constant 0 : i32
    %dma_wait3A_58 = arith.constant 0 : i32
    %dma_wait3A_59 = arith.constant 0 : i32
    %dma_wait3A_60 = tpu.memref_slice %arg9[%dma_wait3A, %dma_wait3A_59] : memref<2x40xi32, #tpu.memory_space<vmem>> -> memref<1x40xi32, #tpu.memory_space<vmem>>
    %dma_wait3A_61 = tpu.memref_squeeze %dma_wait3A_60 : memref<1x40xi32, #tpu.memory_space<vmem>> -> memref<40xi32, #tpu.memory_space<vmem>>
    %dma_wait3A_62 = tpu.memref_slice %arg5[%add3A_57] : memref<320000xi32, #tpu.memory_space<hbm>> -> memref<40xi32, #tpu.memory_space<hbm>>
    %dma_wait3A_63 = tpu.memref_slice %arg22[%dma_wait3A_58] : memref<2x!tpu.dma_semaphore, #tpu.memory_space<semaphore_mem>> -> memref<1x!tpu.dma_semaphore, #tpu.memory_space<semaphore_mem>>
    %dma_wait3A_64 = tpu.memref_squeeze %dma_wait3A_63 : memref<1x!tpu.dma_semaphore, #tpu.memory_space<semaphore_mem>> -> memref<!tpu.dma_semaphore, #tpu.memory_space<semaphore_mem>>
    %dma_wait3A_65 = arith.constant 0 : i32
    %dma_wait3A_66 = tpu.memref_slice %arg9[%dma_wait3A, %dma_wait3A_65] : memref<2x40xi32, #tpu.memory_space<vmem>> -> memref<1x40xi32, #tpu.memory_space<vmem>>
    %dma_wait3A_67 = tpu.memref_squeeze %dma_wait3A_66 : memref<1x40xi32, #tpu.memory_space<vmem>> -> memref<40xi32, #tpu.memory_space<vmem>>
    %dma_wait3A_68 = tpu.memref_slice %arg5[%add3A_57] : memref<320000xi32, #tpu.memory_space<hbm>> -> memref<40xi32, #tpu.memory_space<hbm>>
    tpu.wait_dma2 semaphore(%dma_wait3A_64 : memref<!tpu.dma_semaphore, #tpu.memory_space<semaphore_mem>>) src(%dma_wait3A_68 : memref<40xi32, #tpu.memory_space<hbm>>) dst(%dma_wait3A_67 : memref<40xi32, #tpu.memory_space<vmem>>)
    %dma_wait3A_69 = arith.constant 1 : i32
    %dma_wait3A_70 = arith.constant 0 : i32
    %dma_wait3A_71 = arith.constant 0 : i32
    %dma_wait3A_72 = tpu.memref_slice %arg9[%dma_wait3A_69, %dma_wait3A_71] : memref<2x40xi32, #tpu.memory_space<vmem>> -> memref<1x40xi32, #tpu.memory_space<vmem>>
    %dma_wait3A_73 = tpu.memref_squeeze %dma_wait3A_72 : memref<1x40xi32, #tpu.memory_space<vmem>> -> memref<40xi32, #tpu.memory_space<vmem>>
    %dma_wait3A_74 = tpu.memref_slice %arg6[%add3A_57] : memref<320000xi32, #tpu.memory_space<hbm>> -> memref<40xi32, #tpu.memory_space<hbm>>
    %dma_wait3A_75 = tpu.memref_slice %arg22[%dma_wait3A_70] : memref<2x!tpu.dma_semaphore, #tpu.memory_space<semaphore_mem>> -> memref<1x!tpu.dma_semaphore, #tpu.memory_space<semaphore_mem>>
    %dma_wait3A_76 = tpu.memref_squeeze %dma_wait3A_75 : memref<1x!tpu.dma_semaphore, #tpu.memory_space<semaphore_mem>> -> memref<!tpu.dma_semaphore, #tpu.memory_space<semaphore_mem>>
    %dma_wait3A_77 = arith.constant 0 : i32
    %dma_wait3A_78 = tpu.memref_slice %arg9[%dma_wait3A_69, %dma_wait3A_77] : memref<2x40xi32, #tpu.memory_space<vmem>> -> memref<1x40xi32, #tpu.memory_space<vmem>>
    %dma_wait3A_79 = tpu.memref_squeeze %dma_wait3A_78 : memref<1x40xi32, #tpu.memory_space<vmem>> -> memref<40xi32, #tpu.memory_space<vmem>>
    %dma_wait3A_80 = tpu.memref_slice %arg6[%add3A_57] : memref<320000xi32, #tpu.memory_space<hbm>> -> memref<40xi32, #tpu.memory_space<hbm>>
    tpu.wait_dma2 semaphore(%dma_wait3A_76 : memref<!tpu.dma_semaphore, #tpu.memory_space<semaphore_mem>>) src(%dma_wait3A_80 : memref<40xi32, #tpu.memory_space<hbm>>) dst(%dma_wait3A_79 : memref<40xi32, #tpu.memory_space<vmem>>)
    %dma_start3A_81 = arith.constant 0 : i32
    %dma_start3A_82 = arith.constant 0 : i32
    %dma_start3A_83 = arith.constant 0 : i32
    %dma_start3A_84 = tpu.memref_slice %arg9[%dma_start3A_81, %dma_start3A_83] : memref<2x40xi32, #tpu.memory_space<vmem>> -> memref<1x40xi32, #tpu.memory_space<vmem>>
    %dma_start3A_85 = tpu.memref_squeeze %dma_start3A_84 : memref<1x40xi32, #tpu.memory_space<vmem>> -> memref<40xi32, #tpu.memory_space<vmem>>
    %dma_start3A_86 = arith.constant 0 : i32
    %dma_start3A_87 = arith.constant 0 : i32
    %dma_start3A_88 = tpu.memref_slice %arg2[%dma_start3A_86, %dma_start3A_87] : memref<10000x128xi32, #tpu.memory_space<hbm>> -> memref<10000x128xi32, #tpu.memory_space<hbm>>
    %dma_start3A_89 = tpu.memref_slice %arg23[%dma_start3A_82] : memref<2x!tpu.dma_semaphore, #tpu.memory_space<semaphore_mem>> -> memref<1x!tpu.dma_semaphore, #tpu.memory_space<semaphore_mem>>
    %dma_start3A_90 = tpu.memref_squeeze %dma_start3A_89 : memref<1x!tpu.dma_semaphore, #tpu.memory_space<semaphore_mem>> -> memref<!tpu.dma_semaphore, #tpu.memory_space<semaphore_mem>>
    tpu.enqueue_indirect_dma source(%dma_start3A_88 : memref<10000x128xi32, #tpu.memory_space<hbm>>) target(%arg13 : memref<40x128xi32, #tpu.memory_space<vmem>>) offsets(%dma_start3A_85 : memref<40xi32, #tpu.memory_space<vmem>>) semaphore(%dma_start3A_90 : memref<!tpu.dma_semaphore, #tpu.memory_space<semaphore_mem>>)
    %dma_start3A_91 = arith.constant 1 : i32
    %dma_start3A_92 = arith.constant 0 : i32
    %dma_start3A_93 = arith.constant 0 : i32
    %dma_start3A_94 = tpu.memref_slice %arg9[%dma_start3A_91, %dma_start3A_93] : memref<2x40xi32, #tpu.memory_space<vmem>> -> memref<1x40xi32, #tpu.memory_space<vmem>>
    %dma_start3A_95 = tpu.memref_squeeze %dma_start3A_94 : memref<1x40xi32, #tpu.memory_space<vmem>> -> memref<40xi32, #tpu.memory_space<vmem>>
    %dma_start3A_96 = arith.constant 0 : i32
    %dma_start3A_97 = arith.constant 0 : i32
    %dma_start3A_98 = tpu.memref_slice %arg3[%dma_start3A_96, %dma_start3A_97] : memref<10000x128xi32, #tpu.memory_space<hbm>> -> memref<10000x128xi32, #tpu.memory_space<hbm>>
    %dma_start3A_99 = tpu.memref_slice %arg24[%dma_start3A_92] : memref<2x!tpu.dma_semaphore, #tpu.memory_space<semaphore_mem>> -> memref<1x!tpu.dma_semaphore, #tpu.memory_space<semaphore_mem>>
    %dma_start3A_100 = tpu.memref_squeeze %dma_start3A_99 : memref<1x!tpu.dma_semaphore, #tpu.memory_space<semaphore_mem>> -> memref<!tpu.dma_semaphore, #tpu.memory_space<semaphore_mem>>
    tpu.enqueue_indirect_dma source(%dma_start3A_98 : memref<10000x128xi32, #tpu.memory_space<hbm>>) target(%arg15 : memref<40x128xi32, #tpu.memory_space<vmem>>) offsets(%dma_start3A_95 : memref<40xi32, #tpu.memory_space<vmem>>) semaphore(%dma_start3A_100 : memref<!tpu.dma_semaphore, #tpu.memory_space<semaphore_mem>>)
    %add3A_101 = arith.constant 0 : i32
    %add3A_102 = arith.addi %mul3A_2, %add3A_101 : i32
    %dma_start3A_103 = arith.constant 0 : i32
    %dma_start3A_104 = arith.constant 0 : i32
    %dma_start3A_105 = tpu.memref_slice %arg4[%add3A_102, %dma_start3A_104] : memref<320000x128xi32, #tpu.memory_space<hbm>> -> memref<40x128xi32, #tpu.memory_space<hbm>>
    %dma_start3A_106 = tpu.memref_slice %arg25[%dma_start3A_103] : memref<2x!tpu.dma_semaphore, #tpu.memory_space<semaphore_mem>> -> memref<1x!tpu.dma_semaphore, #tpu.memory_space<semaphore_mem>>
    %dma_start3A_107 = tpu.memref_squeeze %dma_start3A_106 : memref<1x!tpu.dma_semaphore, #tpu.memory_space<semaphore_mem>> -> memref<!tpu.dma_semaphore, #tpu.memory_space<semaphore_mem>>
    %dma_start3A_108 = arith.constant 0 : i32
    %dma_start3A_109 = tpu.memref_slice %arg4[%add3A_102, %dma_start3A_108] : memref<320000x128xi32, #tpu.memory_space<hbm>> -> memref<40x128xi32, #tpu.memory_space<hbm>>
    tpu.enqueue_dma source(%dma_start3A_109 : memref<40x128xi32, #tpu.memory_space<hbm>>) target(%arg17 : memref<40x128xi32, #tpu.memory_space<vmem>>) target_semaphore(%dma_start3A_107 : memref<!tpu.dma_semaphore, #tpu.memory_space<semaphore_mem>>)
    %scan3A = arith.constant 0 : i32
    %scan3A_110 = arith.constant 0 : i32
    %scan3A_111 = arith.constant 250 : i32
    %scan3A_112 = arith.addi %scan3A_110, %scan3A_111 : i32
    %scan3A_113 = arith.constant 1 : i32
    scf.for %scan3A_128 = %scan3A_110 to %scan3A_112 step %scan3A_113  : i32 {
      %rem3A = arith.constant 2 : i32
      %rem3A_129 = arith.remsi %scan3A_128, %rem3A : i32
      %eq3A = arith.constant 0 : i32
      %eq3A_130 = arith.cmpi eq, %rem3A_129, %eq3A : i32
      %convert_element_type3A = arith.extui %eq3A_130 : i1 to i32
      %cond3A = arith.constant 0 : i32
      %cond3A_131 = arith.cmpi ne, %convert_element_type3A, %cond3A : i32
      scf.if %cond3A_131 {
        %ge3A = arith.constant 2 : i32
        %ge3A_139 = arith.cmpi sge, %scan3A_128, %ge3A : i32
        %convert_element_type3A_140 = arith.extui %ge3A_139 : i1 to i32
        %cond3A_141 = arith.constant 0 : i32
        %cond3A_142 = arith.cmpi ne, %convert_element_type3A_140, %cond3A_141 : i32
        scf.if %cond3A_142 {
          %dma_wait3A_211 = arith.constant 0 : i32
          %dma_wait3A_212 = arith.constant 0 : i32
          %dma_wait3A_213 = arith.constant 0 : i32
          %dma_wait3A_214 = tpu.memref_slice %arg21[%dma_wait3A_212, %dma_wait3A_213] : memref<10240x128xf32, #tpu.memory_space<vmem_shared>> -> memref<10240x128xf32, #tpu.memory_space<vmem_shared>>
          %dma_wait3A_215 = tpu.memref_slice %arg26[%dma_wait3A_211] : memref<2x!tpu.dma_semaphore, #tpu.memory_space<semaphore_mem>> -> memref<1x!tpu.dma_semaphore, #tpu.memory_space<semaphore_mem>>
          %dma_wait3A_216 = tpu.memref_squeeze %dma_wait3A_215 : memref<1x!tpu.dma_semaphore, #tpu.memory_space<semaphore_mem>> -> memref<!tpu.dma_semaphore, #tpu.memory_space<semaphore_mem>>
          tpu.wait_indirect_dma semaphore(%dma_wait3A_216 : memref<!tpu.dma_semaphore, #tpu.memory_space<semaphore_mem>>) src(%arg19 : memref<40x128xf32, #tpu.memory_space<vmem>>) dst(%dma_wait3A_214 : memref<10240x128xf32, #tpu.memory_space<vmem_shared>>)
        } else {
        }
        %mul3A_143 = arith.constant 40 : i32
        %mul3A_144 = arith.muli %scan3A_128, %mul3A_143 : i32
        %add3A_145 = arith.addi %mul3A_2, %mul3A_144 : i32
        %dma_start3A_146 = arith.constant 0 : i32
        %dma_start3A_147 = tpu.memref_slice %arg5[%add3A_145] : memref<320000xi32, #tpu.memory_space<hbm>> -> memref<40xi32, #tpu.memory_space<hbm>>
        %dma_start3A_148 = tpu.memref_slice %arg27[%dma_start3A_146] : memref<2x!tpu.dma_semaphore, #tpu.memory_space<semaphore_mem>> -> memref<1x!tpu.dma_semaphore, #tpu.memory_space<semaphore_mem>>
        %dma_start3A_149 = tpu.memref_squeeze %dma_start3A_148 : memref<1x!tpu.dma_semaphore, #tpu.memory_space<semaphore_mem>> -> memref<!tpu.dma_semaphore, #tpu.memory_space<semaphore_mem>>
        %dma_start3A_150 = tpu.memref_slice %arg5[%add3A_145] : memref<320000xi32, #tpu.memory_space<hbm>> -> memref<40xi32, #tpu.memory_space<hbm>>
        tpu.enqueue_dma source(%dma_start3A_150 : memref<40xi32, #tpu.memory_space<hbm>>) target(%arg11 : memref<40xi32, #tpu.memory_space<vmem>>) target_semaphore(%dma_start3A_149 : memref<!tpu.dma_semaphore, #tpu.memory_space<semaphore_mem>>)
        %dma_wait3A_151 = arith.constant 0 : i32
        %dma_wait3A_152 = arith.constant 0 : i32
        %dma_wait3A_153 = arith.constant 0 : i32
        %dma_wait3A_154 = tpu.memref_slice %arg9[%dma_wait3A_151, %dma_wait3A_153] : memref<2x40xi32, #tpu.memory_space<vmem>> -> memref<1x40xi32, #tpu.memory_space<vmem>>
        %dma_wait3A_155 = tpu.memref_squeeze %dma_wait3A_154 : memref<1x40xi32, #tpu.memory_space<vmem>> -> memref<40xi32, #tpu.memory_space<vmem>>
        %dma_wait3A_156 = arith.constant 0 : i32
        %dma_wait3A_157 = arith.constant 0 : i32
        %dma_wait3A_158 = tpu.memref_slice %arg2[%dma_wait3A_156, %dma_wait3A_157] : memref<10000x128xi32, #tpu.memory_space<hbm>> -> memref<10000x128xi32, #tpu.memory_space<hbm>>
        %dma_wait3A_159 = tpu.memref_slice %arg23[%dma_wait3A_152] : memref<2x!tpu.dma_semaphore, #tpu.memory_space<semaphore_mem>> -> memref<1x!tpu.dma_semaphore, #tpu.memory_space<semaphore_mem>>
        %dma_wait3A_160 = tpu.memref_squeeze %dma_wait3A_159 : memref<1x!tpu.dma_semaphore, #tpu.memory_space<semaphore_mem>> -> memref<!tpu.dma_semaphore, #tpu.memory_space<semaphore_mem>>
        tpu.wait_indirect_dma semaphore(%dma_wait3A_160 : memref<!tpu.dma_semaphore, #tpu.memory_space<semaphore_mem>>) src(%dma_wait3A_158 : memref<10000x128xi32, #tpu.memory_space<hbm>>) dst(%arg13 : memref<40x128xi32, #tpu.memory_space<vmem>>)
        %dma_wait3A_161 = arith.constant 1 : i32
        %dma_wait3A_162 = arith.constant 0 : i32
        %dma_wait3A_163 = arith.constant 0 : i32
        %dma_wait3A_164 = tpu.memref_slice %arg9[%dma_wait3A_161, %dma_wait3A_163] : memref<2x40xi32, #tpu.memory_space<vmem>> -> memref<1x40xi32, #tpu.memory_space<vmem>>
        %dma_wait3A_165 = tpu.memref_squeeze %dma_wait3A_164 : memref<1x40xi32, #tpu.memory_space<vmem>> -> memref<40xi32, #tpu.memory_space<vmem>>
        %dma_wait3A_166 = arith.constant 0 : i32
        %dma_wait3A_167 = arith.constant 0 : i32
        %dma_wait3A_168 = tpu.memref_slice %arg3[%dma_wait3A_166, %dma_wait3A_167] : memref<10000x128xi32, #tpu.memory_space<hbm>> -> memref<10000x128xi32, #tpu.memory_space<hbm>>
        %dma_wait3A_169 = tpu.memref_slice %arg24[%dma_wait3A_162] : memref<2x!tpu.dma_semaphore, #tpu.memory_space<semaphore_mem>> -> memref<1x!tpu.dma_semaphore, #tpu.memory_space<semaphore_mem>>
        %dma_wait3A_170 = tpu.memref_squeeze %dma_wait3A_169 : memref<1x!tpu.dma_semaphore, #tpu.memory_space<semaphore_mem>> -> memref<!tpu.dma_semaphore, #tpu.memory_space<semaphore_mem>>
        tpu.wait_indirect_dma semaphore(%dma_wait3A_170 : memref<!tpu.dma_semaphore, #tpu.memory_space<semaphore_mem>>) src(%dma_wait3A_168 : memref<10000x128xi32, #tpu.memory_space<hbm>>) dst(%arg15 : memref<40x128xi32, #tpu.memory_space<vmem>>)
        %mul3A_171 = arith.constant 40 : i32
        %mul3A_172 = arith.muli %scan3A_128, %mul3A_171 : i32
        %add3A_173 = arith.addi %mul3A_2, %mul3A_172 : i32
        %dma_wait3A_174 = arith.constant 0 : i32
        %dma_wait3A_175 = arith.constant 0 : i32
        %dma_wait3A_176 = tpu.memref_slice %arg4[%add3A_173, %dma_wait3A_175] : memref<320000x128xi32, #tpu.memory_space<hbm>> -> memref<40x128xi32, #tpu.memory_space<hbm>>
        %dma_wait3A_177 = tpu.memref_slice %arg25[%dma_wait3A_174] : memref<2x!tpu.dma_semaphore, #tpu.memory_space<semaphore_mem>> -> memref<1x!tpu.dma_semaphore, #tpu.memory_space<semaphore_mem>>
        %dma_wait3A_178 = tpu.memref_squeeze %dma_wait3A_177 : memref<1x!tpu.dma_semaphore, #tpu.memory_space<semaphore_mem>> -> memref<!tpu.dma_semaphore, #tpu.memory_space<semaphore_mem>>
        %dma_wait3A_179 = arith.constant 0 : i32
        %dma_wait3A_180 = tpu.memref_slice %arg4[%add3A_173, %dma_wait3A_179] : memref<320000x128xi32, #tpu.memory_space<hbm>> -> memref<40x128xi32, #tpu.memory_space<hbm>>
        tpu.wait_dma2 semaphore(%dma_wait3A_178 : memref<!tpu.dma_semaphore, #tpu.memory_space<semaphore_mem>>) src(%dma_wait3A_180 : memref<40x128xi32, #tpu.memory_space<hbm>>) dst(%arg17 : memref<40x128xi32, #tpu.memory_space<vmem>>)
        %add3A_181 = arith.constant 2 : i32
        %add3A_182 = arith.addi %scan3A_128, %add3A_181 : i32
        %lt3A = arith.constant 250 : i32
        %lt3A_183 = arith.cmpi slt, %add3A_182, %lt3A : i32
        %convert_element_type3A_184 = arith.extui %lt3A_183 : i1 to i32
        %cond3A_185 = arith.constant 0 : i32
        %cond3A_186 = arith.cmpi ne, %convert_element_type3A_184, %cond3A_185 : i32
        scf.if %cond3A_186 {
          %add3A_211 = arith.constant 2 : i32
          %add3A_212 = arith.addi %scan3A_128, %add3A_211 : i32
          %mul3A_213 = arith.constant 40 : i32
          %mul3A_214 = arith.muli %add3A_212, %mul3A_213 : i32
          %add3A_215 = arith.addi %mul3A_2, %mul3A_214 : i32
          %dma_start3A_216 = arith.constant 0 : i32
          %dma_start3A_217 = arith.constant 0 : i32
          %dma_start3A_218 = arith.constant 0 : i32
          %dma_start3A_219 = tpu.memref_slice %arg9[%dma_start3A_216, %dma_start3A_218] : memref<2x40xi32, #tpu.memory_space<vmem>> -> memref<1x40xi32, #tpu.memory_space<vmem>>
          %dma_start3A_220 = tpu.memref_squeeze %dma_start3A_219 : memref<1x40xi32, #tpu.memory_space<vmem>> -> memref<40xi32, #tpu.memory_space<vmem>>
          %dma_start3A_221 = tpu.memref_slice %arg5[%add3A_215] : memref<320000xi32, #tpu.memory_space<hbm>> -> memref<40xi32, #tpu.memory_space<hbm>>
          %dma_start3A_222 = tpu.memref_slice %arg22[%dma_start3A_217] : memref<2x!tpu.dma_semaphore, #tpu.memory_space<semaphore_mem>> -> memref<1x!tpu.dma_semaphore, #tpu.memory_space<semaphore_mem>>
          %dma_start3A_223 = tpu.memref_squeeze %dma_start3A_222 : memref<1x!tpu.dma_semaphore, #tpu.memory_space<semaphore_mem>> -> memref<!tpu.dma_semaphore, #tpu.memory_space<semaphore_mem>>
          %dma_start3A_224 = arith.constant 0 : i32
          %dma_start3A_225 = tpu.memref_slice %arg9[%dma_start3A_216, %dma_start3A_224] : memref<2x40xi32, #tpu.memory_space<vmem>> -> memref<1x40xi32, #tpu.memory_space<vmem>>
          %dma_start3A_226 = tpu.memref_squeeze %dma_start3A_225 : memref<1x40xi32, #tpu.memory_space<vmem>> -> memref<40xi32, #tpu.memory_space<vmem>>
          %dma_start3A_227 = tpu.memref_slice %arg5[%add3A_215] : memref<320000xi32, #tpu.memory_space<hbm>> -> memref<40xi32, #tpu.memory_space<hbm>>
          tpu.enqueue_dma source(%dma_start3A_227 : memref<40xi32, #tpu.memory_space<hbm>>) target(%dma_start3A_226 : memref<40xi32, #tpu.memory_space<vmem>>) target_semaphore(%dma_start3A_223 : memref<!tpu.dma_semaphore, #tpu.memory_space<semaphore_mem>>)
          %dma_start3A_228 = arith.constant 1 : i32
          %dma_start3A_229 = arith.constant 0 : i32
          %dma_start3A_230 = arith.constant 0 : i32
          %dma_start3A_231 = tpu.memref_slice %arg9[%dma_start3A_228, %dma_start3A_230] : memref<2x40xi32, #tpu.memory_space<vmem>> -> memref<1x40xi32, #tpu.memory_space<vmem>>
          %dma_start3A_232 = tpu.memref_squeeze %dma_start3A_231 : memref<1x40xi32, #tpu.memory_space<vmem>> -> memref<40xi32, #tpu.memory_space<vmem>>
          %dma_start3A_233 = tpu.memref_slice %arg6[%add3A_215] : memref<320000xi32, #tpu.memory_space<hbm>> -> memref<40xi32, #tpu.memory_space<hbm>>
          %dma_start3A_234 = tpu.memref_slice %arg22[%dma_start3A_229] : memref<2x!tpu.dma_semaphore, #tpu.memory_space<semaphore_mem>> -> memref<1x!tpu.dma_semaphore, #tpu.memory_space<semaphore_mem>>
          %dma_start3A_235 = tpu.memref_squeeze %dma_start3A_234 : memref<1x!tpu.dma_semaphore, #tpu.memory_space<semaphore_mem>> -> memref<!tpu.dma_semaphore, #tpu.memory_space<semaphore_mem>>
          %dma_start3A_236 = arith.constant 0 : i32
          %dma_start3A_237 = tpu.memref_slice %arg9[%dma_start3A_228, %dma_start3A_236] : memref<2x40xi32, #tpu.memory_space<vmem>> -> memref<1x40xi32, #tpu.memory_space<vmem>>
          %dma_start3A_238 = tpu.memref_squeeze %dma_start3A_237 : memref<1x40xi32, #tpu.memory_space<vmem>> -> memref<40xi32, #tpu.memory_space<vmem>>
          %dma_start3A_239 = tpu.memref_slice %arg6[%add3A_215] : memref<320000xi32, #tpu.memory_space<hbm>> -> memref<40xi32, #tpu.memory_space<hbm>>
          tpu.enqueue_dma source(%dma_start3A_239 : memref<40xi32, #tpu.memory_space<hbm>>) target(%dma_start3A_238 : memref<40xi32, #tpu.memory_space<vmem>>) target_semaphore(%dma_start3A_235 : memref<!tpu.dma_semaphore, #tpu.memory_space<semaphore_mem>>)
        } else {
        }
        %add3A_187 = arith.constant 1 : i32
        %add3A_188 = arith.addi %scan3A_128, %add3A_187 : i32
        %lt3A_189 = arith.constant 250 : i32
        %lt3A_190 = arith.cmpi slt, %add3A_188, %lt3A_189 : i32
        %convert_element_type3A_191 = arith.extui %lt3A_190 : i1 to i32
        %cond3A_192 = arith.constant 0 : i32
        %cond3A_193 = arith.cmpi ne, %convert_element_type3A_191, %cond3A_192 : i32
        scf.if %cond3A_193 {
          %add3A_211 = arith.constant 1 : i32
          %add3A_212 = arith.addi %scan3A_128, %add3A_211 : i32
          %mul3A_213 = arith.constant 40 : i32
          %mul3A_214 = arith.muli %add3A_212, %mul3A_213 : i32
          %add3A_215 = arith.addi %mul3A_2, %mul3A_214 : i32
          %dma_wait3A_216 = arith.constant 0 : i32
          %dma_wait3A_217 = arith.constant 1 : i32
          %dma_wait3A_218 = arith.constant 0 : i32
          %dma_wait3A_219 = tpu.memref_slice %arg10[%dma_wait3A_216, %dma_wait3A_218] : memref<2x40xi32, #tpu.memory_space<vmem>> -> memref<1x40xi32, #tpu.memory_space<vmem>>
          %dma_wait3A_220 = tpu.memref_squeeze %dma_wait3A_219 : memref<1x40xi32, #tpu.memory_space<vmem>> -> memref<40xi32, #tpu.memory_space<vmem>>
          %dma_wait3A_221 = tpu.memref_slice %arg5[%add3A_215] : memref<320000xi32, #tpu.memory_space<hbm>> -> memref<40xi32, #tpu.memory_space<hbm>>
          %dma_wait3A_222 = tpu.memref_slice %arg22[%dma_wait3A_217] : memref<2x!tpu.dma_semaphore, #tpu.memory_space<semaphore_mem>> -> memref<1x!tpu.dma_semaphore, #tpu.memory_space<semaphore_mem>>
          %dma_wait3A_223 = tpu.memref_squeeze %dma_wait3A_222 : memref<1x!tpu.dma_semaphore, #tpu.memory_space<semaphore_mem>> -> memref<!tpu.dma_semaphore, #tpu.memory_space<semaphore_mem>>
          %dma_wait3A_224 = arith.constant 0 : i32
          %dma_wait3A_225 = tpu.memref_slice %arg10[%dma_wait3A_216, %dma_wait3A_224] : memref<2x40xi32, #tpu.memory_space<vmem>> -> memref<1x40xi32, #tpu.memory_space<vmem>>
          %dma_wait3A_226 = tpu.memref_squeeze %dma_wait3A_225 : memref<1x40xi32, #tpu.memory_space<vmem>> -> memref<40xi32, #tpu.memory_space<vmem>>
          %dma_wait3A_227 = tpu.memref_slice %arg5[%add3A_215] : memref<320000xi32, #tpu.memory_space<hbm>> -> memref<40xi32, #tpu.memory_space<hbm>>
          tpu.wait_dma2 semaphore(%dma_wait3A_223 : memref<!tpu.dma_semaphore, #tpu.memory_space<semaphore_mem>>) src(%dma_wait3A_227 : memref<40xi32, #tpu.memory_space<hbm>>) dst(%dma_wait3A_226 : memref<40xi32, #tpu.memory_space<vmem>>)
          %dma_wait3A_228 = arith.constant 1 : i32
          %dma_wait3A_229 = arith.constant 1 : i32
          %dma_wait3A_230 = arith.constant 0 : i32
          %dma_wait3A_231 = tpu.memref_slice %arg10[%dma_wait3A_228, %dma_wait3A_230] : memref<2x40xi32, #tpu.memory_space<vmem>> -> memref<1x40xi32, #tpu.memory_space<vmem>>
          %dma_wait3A_232 = tpu.memref_squeeze %dma_wait3A_231 : memref<1x40xi32, #tpu.memory_space<vmem>> -> memref<40xi32, #tpu.memory_space<vmem>>
          %dma_wait3A_233 = tpu.memref_slice %arg6[%add3A_215] : memref<320000xi32, #tpu.memory_space<hbm>> -> memref<40xi32, #tpu.memory_space<hbm>>
          %dma_wait3A_234 = tpu.memref_slice %arg22[%dma_wait3A_229] : memref<2x!tpu.dma_semaphore, #tpu.memory_space<semaphore_mem>> -> memref<1x!tpu.dma_semaphore, #tpu.memory_space<semaphore_mem>>
          %dma_wait3A_235 = tpu.memref_squeeze %dma_wait3A_234 : memref<1x!tpu.dma_semaphore, #tpu.memory_space<semaphore_mem>> -> memref<!tpu.dma_semaphore, #tpu.memory_space<semaphore_mem>>
          %dma_wait3A_236 = arith.constant 0 : i32
          %dma_wait3A_237 = tpu.memref_slice %arg10[%dma_wait3A_228, %dma_wait3A_236] : memref<2x40xi32, #tpu.memory_space<vmem>> -> memref<1x40xi32, #tpu.memory_space<vmem>>
          %dma_wait3A_238 = tpu.memref_squeeze %dma_wait3A_237 : memref<1x40xi32, #tpu.memory_space<vmem>> -> memref<40xi32, #tpu.memory_space<vmem>>
          %dma_wait3A_239 = tpu.memref_slice %arg6[%add3A_215] : memref<320000xi32, #tpu.memory_space<hbm>> -> memref<40xi32, #tpu.memory_space<hbm>>
          tpu.wait_dma2 semaphore(%dma_wait3A_235 : memref<!tpu.dma_semaphore, #tpu.memory_space<semaphore_mem>>) src(%dma_wait3A_239 : memref<40xi32, #tpu.memory_space<hbm>>) dst(%dma_wait3A_238 : memref<40xi32, #tpu.memory_space<vmem>>)
          %add3A_240 = arith.constant 1 : i32
          %add3A_241 = arith.addi %scan3A_128, %add3A_240 : i32
          %dma_start3A_242 = arith.constant 0 : i32
          %dma_start3A_243 = arith.constant 1 : i32
          %dma_start3A_244 = arith.constant 0 : i32
          %dma_start3A_245 = tpu.memref_slice %arg10[%dma_start3A_242, %dma_start3A_244] : memref<2x40xi32, #tpu.memory_space<vmem>> -> memref<1x40xi32, #tpu.memory_space<vmem>>
          %dma_start3A_246 = tpu.memref_squeeze %dma_start3A_245 : memref<1x40xi32, #tpu.memory_space<vmem>> -> memref<40xi32, #tpu.memory_space<vmem>>
          %dma_start3A_247 = arith.constant 0 : i32
          %dma_start3A_248 = arith.constant 0 : i32
          %dma_start3A_249 = tpu.memref_slice %arg2[%dma_start3A_247, %dma_start3A_248] : memref<10000x128xi32, #tpu.memory_space<hbm>> -> memref<10000x128xi32, #tpu.memory_space<hbm>>
          %dma_start3A_250 = tpu.memref_slice %arg23[%dma_start3A_243] : memref<2x!tpu.dma_semaphore, #tpu.memory_space<semaphore_mem>> -> memref<1x!tpu.dma_semaphore, #tpu.memory_space<semaphore_mem>>
          %dma_start3A_251 = tpu.memref_squeeze %dma_start3A_250 : memref<1x!tpu.dma_semaphore, #tpu.memory_space<semaphore_mem>> -> memref<!tpu.dma_semaphore, #tpu.memory_space<semaphore_mem>>
          tpu.enqueue_indirect_dma source(%dma_start3A_249 : memref<10000x128xi32, #tpu.memory_space<hbm>>) target(%arg14 : memref<40x128xi32, #tpu.memory_space<vmem>>) offsets(%dma_start3A_246 : memref<40xi32, #tpu.memory_space<vmem>>) semaphore(%dma_start3A_251 : memref<!tpu.dma_semaphore, #tpu.memory_space<semaphore_mem>>)
          %dma_start3A_252 = arith.constant 1 : i32
          %dma_start3A_253 = arith.constant 1 : i32
          %dma_start3A_254 = arith.constant 0 : i32
          %dma_start3A_255 = tpu.memref_slice %arg10[%dma_start3A_252, %dma_start3A_254] : memref<2x40xi32, #tpu.memory_space<vmem>> -> memref<1x40xi32, #tpu.memory_space<vmem>>
          %dma_start3A_256 = tpu.memref_squeeze %dma_start3A_255 : memref<1x40xi32, #tpu.memory_space<vmem>> -> memref<40xi32, #tpu.memory_space<vmem>>
          %dma_start3A_257 = arith.constant 0 : i32
          %dma_start3A_258 = arith.constant 0 : i32
          %dma_start3A_259 = tpu.memref_slice %arg3[%dma_start3A_257, %dma_start3A_258] : memref<10000x128xi32, #tpu.memory_space<hbm>> -> memref<10000x128xi32, #tpu.memory_space<hbm>>
          %dma_start3A_260 = tpu.memref_slice %arg24[%dma_start3A_253] : memref<2x!tpu.dma_semaphore, #tpu.memory_space<semaphore_mem>> -> memref<1x!tpu.dma_semaphore, #tpu.memory_space<semaphore_mem>>
          %dma_start3A_261 = tpu.memref_squeeze %dma_start3A_260 : memref<1x!tpu.dma_semaphore, #tpu.memory_space<semaphore_mem>> -> memref<!tpu.dma_semaphore, #tpu.memory_space<semaphore_mem>>
          tpu.enqueue_indirect_dma source(%dma_start3A_259 : memref<10000x128xi32, #tpu.memory_space<hbm>>) target(%arg16 : memref<40x128xi32, #tpu.memory_space<vmem>>) offsets(%dma_start3A_256 : memref<40xi32, #tpu.memory_space<vmem>>) semaphore(%dma_start3A_261 : memref<!tpu.dma_semaphore, #tpu.memory_space<semaphore_mem>>)
          %mul3A_262 = arith.constant 40 : i32
          %mul3A_263 = arith.muli %add3A_241, %mul3A_262 : i32
          %add3A_264 = arith.addi %mul3A_2, %mul3A_263 : i32
          %dma_start3A_265 = arith.constant 1 : i32
          %dma_start3A_266 = arith.constant 0 : i32
          %dma_start3A_267 = tpu.memref_slice %arg4[%add3A_264, %dma_start3A_266] : memref<320000x128xi32, #tpu.memory_space<hbm>> -> memref<40x128xi32, #tpu.memory_space<hbm>>
          %dma_start3A_268 = tpu.memref_slice %arg25[%dma_start3A_265] : memref<2x!tpu.dma_semaphore, #tpu.memory_space<semaphore_mem>> -> memref<1x!tpu.dma_semaphore, #tpu.memory_space<semaphore_mem>>
          %dma_start3A_269 = tpu.memref_squeeze %dma_start3A_268 : memref<1x!tpu.dma_semaphore, #tpu.memory_space<semaphore_mem>> -> memref<!tpu.dma_semaphore, #tpu.memory_space<semaphore_mem>>
          %dma_start3A_270 = arith.constant 0 : i32
          %dma_start3A_271 = tpu.memref_slice %arg4[%add3A_264, %dma_start3A_270] : memref<320000x128xi32, #tpu.memory_space<hbm>> -> memref<40x128xi32, #tpu.memory_space<hbm>>
          tpu.enqueue_dma source(%dma_start3A_271 : memref<40x128xi32, #tpu.memory_space<hbm>>) target(%arg18 : memref<40x128xi32, #tpu.memory_space<vmem>>) target_semaphore(%dma_start3A_269 : memref<!tpu.dma_semaphore, #tpu.memory_space<semaphore_mem>>)
        } else {
        }
        %parallel_loop3A = arith.constant 0 : i32
        %parallel_loop3A_194 = arith.constant 320 : i32
        %parallel_loop3A_195 = arith.constant 1 : i32
        %parallel_loop3A_196 = arith.constant -65536 : i32
        scf.for %parallel_loop3A_211 = %parallel_loop3A to %parallel_loop3A_194 step %parallel_loop3A_195  : i32 {
          %parallel_loop3A_212 = arith.constant 3 : i32
          %parallel_loop3A_213 = arith.shrui %parallel_loop3A_211, %parallel_loop3A_212 : i32
          %parallel_loop3A_214 = arith.constant 7 : i32
          %parallel_loop3A_215 = arith.andi %parallel_loop3A_211, %parallel_loop3A_214 : i32
          %parallel_loop3A_216 = arith.constant 16 : i32
          %parallel_loop3A_217 = arith.muli %parallel_loop3A_216, %parallel_loop3A_215 : i32
          %parallel_loop3A_218 = arith.index_cast %parallel_loop3A_213 : i32 to index
          %parallel_loop3A_219 = arith.index_cast %parallel_loop3A_217 : i32 to index
          %parallel_loop3A_220 = tpu.vector_load %arg13[%parallel_loop3A_218, %parallel_loop3A_219] {strides = array<i32>} : memref<40x128xi32, #tpu.memory_space<vmem>>, vector<1x16xi32>,
          %parallel_loop3A_221 = vector.shape_cast %parallel_loop3A_220 : vector<1x16xi32> to vector<16xi32>
          %parallel_loop3A_222 = arith.index_cast %parallel_loop3A_213 : i32 to index
          %parallel_loop3A_223 = arith.index_cast %parallel_loop3A_217 : i32 to index
          %parallel_loop3A_224 = tpu.vector_load %arg15[%parallel_loop3A_222, %parallel_loop3A_223] {strides = array<i32>} : memref<40x128xi32, #tpu.memory_space<vmem>>, vector<1x16xi32>,
          %parallel_loop3A_225 = vector.shape_cast %parallel_loop3A_224 : vector<1x16xi32> to vector<16xi32>
          %parallel_loop3A_226 = arith.index_cast %parallel_loop3A_213 : i32 to index
          %parallel_loop3A_227 = arith.index_cast %parallel_loop3A_217 : i32 to index
          %parallel_loop3A_228 = tpu.vector_load %arg17[%parallel_loop3A_226, %parallel_loop3A_227] {strides = array<i32>} : memref<40x128xi32, #tpu.memory_space<vmem>>, vector<1x16xi32>,
          %parallel_loop3A_229 = vector.shape_cast %parallel_loop3A_228 : vector<1x16xi32> to vector<16xi32>
          %parallel_loop3A_230 = arith.constant 16 : i32
          %parallel_loop3A_231 = vector.broadcast %parallel_loop3A_230 : i32 to vector<16xi32>
          %parallel_loop3A_232 = arith.shli %parallel_loop3A_221, %parallel_loop3A_231 : vector<16xi32>
          %parallel_loop3A_233 = tpu.bitcast %parallel_loop3A_232 : vector<16xi32> -> vector<16xf32>
          %parallel_loop3A_234 = arith.constant 16 : i32
          %parallel_loop3A_235 = vector.broadcast %parallel_loop3A_234 : i32 to vector<16xi32>
          %parallel_loop3A_236 = arith.shli %parallel_loop3A_225, %parallel_loop3A_235 : vector<16xi32>
          %parallel_loop3A_237 = tpu.bitcast %parallel_loop3A_236 : vector<16xi32> -> vector<16xf32>
          %parallel_loop3A_238 = arith.addf %parallel_loop3A_233, %parallel_loop3A_237 : vector<16xf32>
          %parallel_loop3A_239 = arith.constant 16 : i32
          %parallel_loop3A_240 = vector.broadcast %parallel_loop3A_239 : i32 to vector<16xi32>
          %parallel_loop3A_241 = arith.shli %parallel_loop3A_229, %parallel_loop3A_240 : vector<16xi32>
          %parallel_loop3A_242 = tpu.bitcast %parallel_loop3A_241 : vector<16xi32> -> vector<16xf32>
          %parallel_loop3A_243 = arith.addf %parallel_loop3A_238, %parallel_loop3A_242 : vector<16xf32>
          %parallel_loop3A_244 = vector.broadcast %parallel_loop3A_196 : i32 to vector<16xi32>
          %parallel_loop3A_245 = arith.andi %parallel_loop3A_221, %parallel_loop3A_244 : vector<16xi32>
          %parallel_loop3A_246 = tpu.bitcast %parallel_loop3A_245 : vector<16xi32> -> vector<16xf32>
          %parallel_loop3A_247 = vector.broadcast %parallel_loop3A_196 : i32 to vector<16xi32>
          %parallel_loop3A_248 = arith.andi %parallel_loop3A_225, %parallel_loop3A_247 : vector<16xi32>
          %parallel_loop3A_249 = tpu.bitcast %parallel_loop3A_248 : vector<16xi32> -> vector<16xf32>
          %parallel_loop3A_250 = arith.addf %parallel_loop3A_246, %parallel_loop3A_249 : vector<16xf32>
          %parallel_loop3A_251 = vector.broadcast %parallel_loop3A_196 : i32 to vector<16xi32>
          %parallel_loop3A_252 = arith.andi %parallel_loop3A_229, %parallel_loop3A_251 : vector<16xi32>
          %parallel_loop3A_253 = tpu.bitcast %parallel_loop3A_252 : vector<16xi32> -> vector<16xf32>
          %parallel_loop3A_254 = arith.addf %parallel_loop3A_250, %parallel_loop3A_253 : vector<16xf32>
          %parallel_loop3A_255 = math.exp %parallel_loop3A_243 : vector<16xf32>
          %parallel_loop3A_256 = arith.constant 1.000000e+00 : f32
          %parallel_loop3A_257 = vector.broadcast %parallel_loop3A_256 : f32 to vector<16xf32>
          %parallel_loop3A_258 = arith.addf %parallel_loop3A_257, %parallel_loop3A_255 : vector<16xf32>
          %parallel_loop3A_259 = arith.constant 1.000000e+00 : f32
          %parallel_loop3A_260 = vector.broadcast %parallel_loop3A_259 : f32 to vector<16xf32>
          %parallel_loop3A_261 = arith.divf %parallel_loop3A_260, %parallel_loop3A_258 : vector<16xf32>
          %parallel_loop3A_262 = arith.constant 0.000000e+00 : f32
          %parallel_loop3A_263 = vector.broadcast %parallel_loop3A_262 : f32 to vector<16xf32>
          %parallel_loop3A_264 = arith.maximumf %parallel_loop3A_254, %parallel_loop3A_263 : vector<16xf32>
          %parallel_loop3A_265 = arith.mulf %parallel_loop3A_261, %parallel_loop3A_264 : vector<16xf32>
          %parallel_loop3A_266 = arith.index_cast %parallel_loop3A_213 : i32 to index
          %parallel_loop3A_267 = arith.index_cast %parallel_loop3A_217 : i32 to index
          %parallel_loop3A_268 = tpu.vector_load %arg19[%parallel_loop3A_266, %parallel_loop3A_267] {strides = array<i32>} : memref<40x128xf32, #tpu.memory_space<vmem>>, vector<1x16xf32>,
          %parallel_loop3A_269 = vector.shape_cast %parallel_loop3A_268 : vector<1x16xf32> to vector<16xf32>
          %parallel_loop3A_270 = vector.shape_cast %parallel_loop3A_265 : vector<16xf32> to vector<1x16xf32>
          tpu.vector_store %arg19[%parallel_loop3A_266, %parallel_loop3A_267], %parallel_loop3A_270 {strides = array<i32>} : memref<40x128xf32, #tpu.memory_space<vmem>>, vector<1x16xf32>,
        } {sc.loop_unroll_factor = 4 : i64, sc.parallel_access}
        %mul3A_197 = arith.constant 40 : i32
        %mul3A_198 = arith.muli %scan3A_128, %mul3A_197 : i32
        %add3A_199 = arith.addi %mul3A_2, %mul3A_198 : i32
        %dma_wait3A_200 = arith.constant 0 : i32
        %dma_wait3A_201 = tpu.memref_slice %arg5[%add3A_199] : memref<320000xi32, #tpu.memory_space<hbm>> -> memref<40xi32, #tpu.memory_space<hbm>>
        %dma_wait3A_202 = tpu.memref_slice %arg27[%dma_wait3A_200] : memref<2x!tpu.dma_semaphore, #tpu.memory_space<semaphore_mem>> -> memref<1x!tpu.dma_semaphore, #tpu.memory_space<semaphore_mem>>
        %dma_wait3A_203 = tpu.memref_squeeze %dma_wait3A_202 : memref<1x!tpu.dma_semaphore, #tpu.memory_space<semaphore_mem>> -> memref<!tpu.dma_semaphore, #tpu.memory_space<semaphore_mem>>
        %dma_wait3A_204 = tpu.memref_slice %arg5[%add3A_199] : memref<320000xi32, #tpu.memory_space<hbm>> -> memref<40xi32, #tpu.memory_space<hbm>>
        tpu.wait_dma2 semaphore(%dma_wait3A_203 : memref<!tpu.dma_semaphore, #tpu.memory_space<semaphore_mem>>) src(%dma_wait3A_204 : memref<40xi32, #tpu.memory_space<hbm>>) dst(%arg11 : memref<40xi32, #tpu.memory_space<vmem>>)
        %dma_start3A_205 = arith.constant 0 : i32
        %dma_start3A_206 = arith.constant 0 : i32
        %dma_start3A_207 = arith.constant 0 : i32
        %dma_start3A_208 = tpu.memref_slice %arg21[%dma_start3A_206, %dma_start3A_207] : memref<10240x128xf32, #tpu.memory_space<vmem_shared>> -> memref<10240x128xf32, #tpu.memory_space<vmem_shared>>
        %dma_start3A_209 = tpu.memref_slice %arg26[%dma_start3A_205] : memref<2x!tpu.dma_semaphore, #tpu.memory_space<semaphore_mem>> -> memref<1x!tpu.dma_semaphore, #tpu.memory_space<semaphore_mem>>
        %dma_start3A_210 = tpu.memref_squeeze %dma_start3A_209 : memref<1x!tpu.dma_semaphore, #tpu.memory_space<semaphore_mem>> -> memref<!tpu.dma_semaphore, #tpu.memory_space<semaphore_mem>>
        tpu.enqueue_indirect_dma source(%arg19 : memref<40x128xf32, #tpu.memory_space<vmem>>) target(%dma_start3A_208 : memref<10240x128xf32, #tpu.memory_space<vmem_shared>>) offsets(%arg11 : memref<40xi32, #tpu.memory_space<vmem>>) semaphore(%dma_start3A_210 : memref<!tpu.dma_semaphore, #tpu.memory_space<semaphore_mem>>) {add = true}
      } else {
      }
      %rem3A_132 = arith.constant 2 : i32
      %rem3A_133 = arith.remsi %scan3A_128, %rem3A_132 : i32
      %eq3A_134 = arith.constant 1 : i32
      %eq3A_135 = arith.cmpi eq, %rem3A_133, %eq3A_134 : i32
      %convert_element_type3A_136 = arith.extui %eq3A_135 : i1 to i32
      %cond3A_137 = arith.constant 0 : i32
      %cond3A_138 = arith.cmpi ne, %convert_element_type3A_136, %cond3A_137 : i32
      scf.if %cond3A_138 {
        %ge3A = arith.constant 2 : i32
        %ge3A_139 = arith.cmpi sge, %scan3A_128, %ge3A : i32
        %convert_element_type3A_140 = arith.extui %ge3A_139 : i1 to i32
        %cond3A_141 = arith.constant 0 : i32
        %cond3A_142 = arith.cmpi ne, %convert_element_type3A_140, %cond3A_141 : i32
        scf.if %cond3A_142 {
          %dma_wait3A_211 = arith.constant 1 : i32
          %dma_wait3A_212 = arith.constant 0 : i32
          %dma_wait3A_213 = arith.constant 0 : i32
          %dma_wait3A_214 = tpu.memref_slice %arg21[%dma_wait3A_212, %dma_wait3A_213] : memref<10240x128xf32, #tpu.memory_space<vmem_shared>> -> memref<10240x128xf32, #tpu.memory_space<vmem_shared>>
          %dma_wait3A_215 = tpu.memref_slice %arg26[%dma_wait3A_211] : memref<2x!tpu.dma_semaphore, #tpu.memory_space<semaphore_mem>> -> memref<1x!tpu.dma_semaphore, #tpu.memory_space<semaphore_mem>>
          %dma_wait3A_216 = tpu.memref_squeeze %dma_wait3A_215 : memref<1x!tpu.dma_semaphore, #tpu.memory_space<semaphore_mem>> -> memref<!tpu.dma_semaphore, #tpu.memory_space<semaphore_mem>>
          tpu.wait_indirect_dma semaphore(%dma_wait3A_216 : memref<!tpu.dma_semaphore, #tpu.memory_space<semaphore_mem>>) src(%arg20 : memref<40x128xf32, #tpu.memory_space<vmem>>) dst(%dma_wait3A_214 : memref<10240x128xf32, #tpu.memory_space<vmem_shared>>)
        } else {
        }
        %mul3A_143 = arith.constant 40 : i32
        %mul3A_144 = arith.muli %scan3A_128, %mul3A_143 : i32
        %add3A_145 = arith.addi %mul3A_2, %mul3A_144 : i32
        %dma_start3A_146 = arith.constant 1 : i32
        %dma_start3A_147 = tpu.memref_slice %arg5[%add3A_145] : memref<320000xi32, #tpu.memory_space<hbm>> -> memref<40xi32, #tpu.memory_space<hbm>>
        %dma_start3A_148 = tpu.memref_slice %arg27[%dma_start3A_146] : memref<2x!tpu.dma_semaphore, #tpu.memory_space<semaphore_mem>> -> memref<1x!tpu.dma_semaphore, #tpu.memory_space<semaphore_mem>>
        %dma_start3A_149 = tpu.memref_squeeze %dma_start3A_148 : memref<1x!tpu.dma_semaphore, #tpu.memory_space<semaphore_mem>> -> memref<!tpu.dma_semaphore, #tpu.memory_space<semaphore_mem>>
        %dma_start3A_150 = tpu.memref_slice %arg5[%add3A_145] : memref<320000xi32, #tpu.memory_space<hbm>> -> memref<40xi32, #tpu.memory_space<hbm>>
        tpu.enqueue_dma source(%dma_start3A_150 : memref<40xi32, #tpu.memory_space<hbm>>) target(%arg12 : memref<40xi32, #tpu.memory_space<vmem>>) target_semaphore(%dma_start3A_149 : memref<!tpu.dma_semaphore, #tpu.memory_space<semaphore_mem>>)
        %dma_wait3A_151 = arith.constant 0 : i32
        %dma_wait3A_152 = arith.constant 1 : i32
        %dma_wait3A_153 = arith.constant 0 : i32
        %dma_wait3A_154 = tpu.memref_slice %arg10[%dma_wait3A_151, %dma_wait3A_153] : memref<2x40xi32, #tpu.memory_space<vmem>> -> memref<1x40xi32, #tpu.memory_space<vmem>>
        %dma_wait3A_155 = tpu.memref_squeeze %dma_wait3A_154 : memref<1x40xi32, #tpu.memory_space<vmem>> -> memref<40xi32, #tpu.memory_space<vmem>>
        %dma_wait3A_156 = arith.constant 0 : i32
        %dma_wait3A_157 = arith.constant 0 : i32
        %dma_wait3A_158 = tpu.memref_slice %arg2[%dma_wait3A_156, %dma_wait3A_157] : memref<10000x128xi32, #tpu.memory_space<hbm>> -> memref<10000x128xi32, #tpu.memory_space<hbm>>
        %dma_wait3A_159 = tpu.memref_slice %arg23[%dma_wait3A_152] : memref<2x!tpu.dma_semaphore, #tpu.memory_space<semaphore_mem>> -> memref<1x!tpu.dma_semaphore, #tpu.memory_space<semaphore_mem>>
        %dma_wait3A_160 = tpu.memref_squeeze %dma_wait3A_159 : memref<1x!tpu.dma_semaphore, #tpu.memory_space<semaphore_mem>> -> memref<!tpu.dma_semaphore, #tpu.memory_space<semaphore_mem>>
        tpu.wait_indirect_dma semaphore(%dma_wait3A_160 : memref<!tpu.dma_semaphore, #tpu.memory_space<semaphore_mem>>) src(%dma_wait3A_158 : memref<10000x128xi32, #tpu.memory_space<hbm>>) dst(%arg14 : memref<40x128xi32, #tpu.memory_space<vmem>>)
        %dma_wait3A_161 = arith.constant 1 : i32
        %dma_wait3A_162 = arith.constant 1 : i32
        %dma_wait3A_163 = arith.constant 0 : i32
        %dma_wait3A_164 = tpu.memref_slice %arg10[%dma_wait3A_161, %dma_wait3A_163] : memref<2x40xi32, #tpu.memory_space<vmem>> -> memref<1x40xi32, #tpu.memory_space<vmem>>
        %dma_wait3A_165 = tpu.memref_squeeze %dma_wait3A_164 : memref<1x40xi32, #tpu.memory_space<vmem>> -> memref<40xi32, #tpu.memory_space<vmem>>
        %dma_wait3A_166 = arith.constant 0 : i32
        %dma_wait3A_167 = arith.constant 0 : i32
        %dma_wait3A_168 = tpu.memref_slice %arg3[%dma_wait3A_166, %dma_wait3A_167] : memref<10000x128xi32, #tpu.memory_space<hbm>> -> memref<10000x128xi32, #tpu.memory_space<hbm>>
        %dma_wait3A_169 = tpu.memref_slice %arg24[%dma_wait3A_162] : memref<2x!tpu.dma_semaphore, #tpu.memory_space<semaphore_mem>> -> memref<1x!tpu.dma_semaphore, #tpu.memory_space<semaphore_mem>>
        %dma_wait3A_170 = tpu.memref_squeeze %dma_wait3A_169 : memref<1x!tpu.dma_semaphore, #tpu.memory_space<semaphore_mem>> -> memref<!tpu.dma_semaphore, #tpu.memory_space<semaphore_mem>>
        tpu.wait_indirect_dma semaphore(%dma_wait3A_170 : memref<!tpu.dma_semaphore, #tpu.memory_space<semaphore_mem>>) src(%dma_wait3A_168 : memref<10000x128xi32, #tpu.memory_space<hbm>>) dst(%arg16 : memref<40x128xi32, #tpu.memory_space<vmem>>)
        %mul3A_171 = arith.constant 40 : i32
        %mul3A_172 = arith.muli %scan3A_128, %mul3A_171 : i32
        %add3A_173 = arith.addi %mul3A_2, %mul3A_172 : i32
        %dma_wait3A_174 = arith.constant 1 : i32
        %dma_wait3A_175 = arith.constant 0 : i32
        %dma_wait3A_176 = tpu.memref_slice %arg4[%add3A_173, %dma_wait3A_175] : memref<320000x128xi32, #tpu.memory_space<hbm>> -> memref<40x128xi32, #tpu.memory_space<hbm>>
        %dma_wait3A_177 = tpu.memref_slice %arg25[%dma_wait3A_174] : memref<2x!tpu.dma_semaphore, #tpu.memory_space<semaphore_mem>> -> memref<1x!tpu.dma_semaphore, #tpu.memory_space<semaphore_mem>>
        %dma_wait3A_178 = tpu.memref_squeeze %dma_wait3A_177 : memref<1x!tpu.dma_semaphore, #tpu.memory_space<semaphore_mem>> -> memref<!tpu.dma_semaphore, #tpu.memory_space<semaphore_mem>>
        %dma_wait3A_179 = arith.constant 0 : i32
        %dma_wait3A_180 = tpu.memref_slice %arg4[%add3A_173, %dma_wait3A_179] : memref<320000x128xi32, #tpu.memory_space<hbm>> -> memref<40x128xi32, #tpu.memory_space<hbm>>
        tpu.wait_dma2 semaphore(%dma_wait3A_178 : memref<!tpu.dma_semaphore, #tpu.memory_space<semaphore_mem>>) src(%dma_wait3A_180 : memref<40x128xi32, #tpu.memory_space<hbm>>) dst(%arg18 : memref<40x128xi32, #tpu.memory_space<vmem>>)
        %add3A_181 = arith.constant 2 : i32
        %add3A_182 = arith.addi %scan3A_128, %add3A_181 : i32
        %lt3A = arith.constant 250 : i32
        %lt3A_183 = arith.cmpi slt, %add3A_182, %lt3A : i32
        %convert_element_type3A_184 = arith.extui %lt3A_183 : i1 to i32
        %cond3A_185 = arith.constant 0 : i32
        %cond3A_186 = arith.cmpi ne, %convert_element_type3A_184, %cond3A_185 : i32
        scf.if %cond3A_186 {
          %add3A_211 = arith.constant 2 : i32
          %add3A_212 = arith.addi %scan3A_128, %add3A_211 : i32
          %mul3A_213 = arith.constant 40 : i32
          %mul3A_214 = arith.muli %add3A_212, %mul3A_213 : i32
          %add3A_215 = arith.addi %mul3A_2, %mul3A_214 : i32
          %dma_start3A_216 = arith.constant 0 : i32
          %dma_start3A_217 = arith.constant 1 : i32
          %dma_start3A_218 = arith.constant 0 : i32
          %dma_start3A_219 = tpu.memref_slice %arg10[%dma_start3A_216, %dma_start3A_218] : memref<2x40xi32, #tpu.memory_space<vmem>> -> memref<1x40xi32, #tpu.memory_space<vmem>>
          %dma_start3A_220 = tpu.memref_squeeze %dma_start3A_219 : memref<1x40xi32, #tpu.memory_space<vmem>> -> memref<40xi32, #tpu.memory_space<vmem>>
          %dma_start3A_221 = tpu.memref_slice %arg5[%add3A_215] : memref<320000xi32, #tpu.memory_space<hbm>> -> memref<40xi32, #tpu.memory_space<hbm>>
          %dma_start3A_222 = tpu.memref_slice %arg22[%dma_start3A_217] : memref<2x!tpu.dma_semaphore, #tpu.memory_space<semaphore_mem>> -> memref<1x!tpu.dma_semaphore, #tpu.memory_space<semaphore_mem>>
          %dma_start3A_223 = tpu.memref_squeeze %dma_start3A_222 : memref<1x!tpu.dma_semaphore, #tpu.memory_space<semaphore_mem>> -> memref<!tpu.dma_semaphore, #tpu.memory_space<semaphore_mem>>
          %dma_start3A_224 = arith.constant 0 : i32
          %dma_start3A_225 = tpu.memref_slice %arg10[%dma_start3A_216, %dma_start3A_224] : memref<2x40xi32, #tpu.memory_space<vmem>> -> memref<1x40xi32, #tpu.memory_space<vmem>>
          %dma_start3A_226 = tpu.memref_squeeze %dma_start3A_225 : memref<1x40xi32, #tpu.memory_space<vmem>> -> memref<40xi32, #tpu.memory_space<vmem>>
          %dma_start3A_227 = tpu.memref_slice %arg5[%add3A_215] : memref<320000xi32, #tpu.memory_space<hbm>> -> memref<40xi32, #tpu.memory_space<hbm>>
          tpu.enqueue_dma source(%dma_start3A_227 : memref<40xi32, #tpu.memory_space<hbm>>) target(%dma_start3A_226 : memref<40xi32, #tpu.memory_space<vmem>>) target_semaphore(%dma_start3A_223 : memref<!tpu.dma_semaphore, #tpu.memory_space<semaphore_mem>>)
          %dma_start3A_228 = arith.constant 1 : i32
          %dma_start3A_229 = arith.constant 1 : i32
          %dma_start3A_230 = arith.constant 0 : i32
          %dma_start3A_231 = tpu.memref_slice %arg10[%dma_start3A_228, %dma_start3A_230] : memref<2x40xi32, #tpu.memory_space<vmem>> -> memref<1x40xi32, #tpu.memory_space<vmem>>
          %dma_start3A_232 = tpu.memref_squeeze %dma_start3A_231 : memref<1x40xi32, #tpu.memory_space<vmem>> -> memref<40xi32, #tpu.memory_space<vmem>>
          %dma_start3A_233 = tpu.memref_slice %arg6[%add3A_215] : memref<320000xi32, #tpu.memory_space<hbm>> -> memref<40xi32, #tpu.memory_space<hbm>>
          %dma_start3A_234 = tpu.memref_slice %arg22[%dma_start3A_229] : memref<2x!tpu.dma_semaphore, #tpu.memory_space<semaphore_mem>> -> memref<1x!tpu.dma_semaphore, #tpu.memory_space<semaphore_mem>>
          %dma_start3A_235 = tpu.memref_squeeze %dma_start3A_234 : memref<1x!tpu.dma_semaphore, #tpu.memory_space<semaphore_mem>> -> memref<!tpu.dma_semaphore, #tpu.memory_space<semaphore_mem>>
          %dma_start3A_236 = arith.constant 0 : i32
          %dma_start3A_237 = tpu.memref_slice %arg10[%dma_start3A_228, %dma_start3A_236] : memref<2x40xi32, #tpu.memory_space<vmem>> -> memref<1x40xi32, #tpu.memory_space<vmem>>
          %dma_start3A_238 = tpu.memref_squeeze %dma_start3A_237 : memref<1x40xi32, #tpu.memory_space<vmem>> -> memref<40xi32, #tpu.memory_space<vmem>>
          %dma_start3A_239 = tpu.memref_slice %arg6[%add3A_215] : memref<320000xi32, #tpu.memory_space<hbm>> -> memref<40xi32, #tpu.memory_space<hbm>>
          tpu.enqueue_dma source(%dma_start3A_239 : memref<40xi32, #tpu.memory_space<hbm>>) target(%dma_start3A_238 : memref<40xi32, #tpu.memory_space<vmem>>) target_semaphore(%dma_start3A_235 : memref<!tpu.dma_semaphore, #tpu.memory_space<semaphore_mem>>)
        } else {
        }
        %add3A_187 = arith.constant 1 : i32
        %add3A_188 = arith.addi %scan3A_128, %add3A_187 : i32
        %lt3A_189 = arith.constant 250 : i32
        %lt3A_190 = arith.cmpi slt, %add3A_188, %lt3A_189 : i32
        %convert_element_type3A_191 = arith.extui %lt3A_190 : i1 to i32
        %cond3A_192 = arith.constant 0 : i32
        %cond3A_193 = arith.cmpi ne, %convert_element_type3A_191, %cond3A_192 : i32
        scf.if %cond3A_193 {
          %add3A_211 = arith.constant 1 : i32
          %add3A_212 = arith.addi %scan3A_128, %add3A_211 : i32
          %mul3A_213 = arith.constant 40 : i32
          %mul3A_214 = arith.muli %add3A_212, %mul3A_213 : i32
          %add3A_215 = arith.addi %mul3A_2, %mul3A_214 : i32
          %dma_wait3A_216 = arith.constant 0 : i32
          %dma_wait3A_217 = arith.constant 0 : i32
          %dma_wait3A_218 = arith.constant 0 : i32
          %dma_wait3A_219 = tpu.memref_slice %arg9[%dma_wait3A_216, %dma_wait3A_218] : memref<2x40xi32, #tpu.memory_space<vmem>> -> memref<1x40xi32, #tpu.memory_space<vmem>>
          %dma_wait3A_220 = tpu.memref_squeeze %dma_wait3A_219 : memref<1x40xi32, #tpu.memory_space<vmem>> -> memref<40xi32, #tpu.memory_space<vmem>>
          %dma_wait3A_221 = tpu.memref_slice %arg5[%add3A_215] : memref<320000xi32, #tpu.memory_space<hbm>> -> memref<40xi32, #tpu.memory_space<hbm>>
          %dma_wait3A_222 = tpu.memref_slice %arg22[%dma_wait3A_217] : memref<2x!tpu.dma_semaphore, #tpu.memory_space<semaphore_mem>> -> memref<1x!tpu.dma_semaphore, #tpu.memory_space<semaphore_mem>>
          %dma_wait3A_223 = tpu.memref_squeeze %dma_wait3A_222 : memref<1x!tpu.dma_semaphore, #tpu.memory_space<semaphore_mem>> -> memref<!tpu.dma_semaphore, #tpu.memory_space<semaphore_mem>>
          %dma_wait3A_224 = arith.constant 0 : i32
          %dma_wait3A_225 = tpu.memref_slice %arg9[%dma_wait3A_216, %dma_wait3A_224] : memref<2x40xi32, #tpu.memory_space<vmem>> -> memref<1x40xi32, #tpu.memory_space<vmem>>
          %dma_wait3A_226 = tpu.memref_squeeze %dma_wait3A_225 : memref<1x40xi32, #tpu.memory_space<vmem>> -> memref<40xi32, #tpu.memory_space<vmem>>
          %dma_wait3A_227 = tpu.memref_slice %arg5[%add3A_215] : memref<320000xi32, #tpu.memory_space<hbm>> -> memref<40xi32, #tpu.memory_space<hbm>>
          tpu.wait_dma2 semaphore(%dma_wait3A_223 : memref<!tpu.dma_semaphore, #tpu.memory_space<semaphore_mem>>) src(%dma_wait3A_227 : memref<40xi32, #tpu.memory_space<hbm>>) dst(%dma_wait3A_226 : memref<40xi32, #tpu.memory_space<vmem>>)
          %dma_wait3A_228 = arith.constant 1 : i32
          %dma_wait3A_229 = arith.constant 0 : i32
          %dma_wait3A_230 = arith.constant 0 : i32
          %dma_wait3A_231 = tpu.memref_slice %arg9[%dma_wait3A_228, %dma_wait3A_230] : memref<2x40xi32, #tpu.memory_space<vmem>> -> memref<1x40xi32, #tpu.memory_space<vmem>>
          %dma_wait3A_232 = tpu.memref_squeeze %dma_wait3A_231 : memref<1x40xi32, #tpu.memory_space<vmem>> -> memref<40xi32, #tpu.memory_space<vmem>>
          %dma_wait3A_233 = tpu.memref_slice %arg6[%add3A_215] : memref<320000xi32, #tpu.memory_space<hbm>> -> memref<40xi32, #tpu.memory_space<hbm>>
          %dma_wait3A_234 = tpu.memref_slice %arg22[%dma_wait3A_229] : memref<2x!tpu.dma_semaphore, #tpu.memory_space<semaphore_mem>> -> memref<1x!tpu.dma_semaphore, #tpu.memory_space<semaphore_mem>>
          %dma_wait3A_235 = tpu.memref_squeeze %dma_wait3A_234 : memref<1x!tpu.dma_semaphore, #tpu.memory_space<semaphore_mem>> -> memref<!tpu.dma_semaphore, #tpu.memory_space<semaphore_mem>>
          %dma_wait3A_236 = arith.constant 0 : i32
          %dma_wait3A_237 = tpu.memref_slice %arg9[%dma_wait3A_228, %dma_wait3A_236] : memref<2x40xi32, #tpu.memory_space<vmem>> -> memref<1x40xi32, #tpu.memory_space<vmem>>
          %dma_wait3A_238 = tpu.memref_squeeze %dma_wait3A_237 : memref<1x40xi32, #tpu.memory_space<vmem>> -> memref<40xi32, #tpu.memory_space<vmem>>
          %dma_wait3A_239 = tpu.memref_slice %arg6[%add3A_215] : memref<320000xi32, #tpu.memory_space<hbm>> -> memref<40xi32, #tpu.memory_space<hbm>>
          tpu.wait_dma2 semaphore(%dma_wait3A_235 : memref<!tpu.dma_semaphore, #tpu.memory_space<semaphore_mem>>) src(%dma_wait3A_239 : memref<40xi32, #tpu.memory_space<hbm>>) dst(%dma_wait3A_238 : memref<40xi32, #tpu.memory_space<vmem>>)
          %add3A_240 = arith.constant 1 : i32
          %add3A_241 = arith.addi %scan3A_128, %add3A_240 : i32
          %dma_start3A_242 = arith.constant 0 : i32
          %dma_start3A_243 = arith.constant 0 : i32
          %dma_start3A_244 = arith.constant 0 : i32
          %dma_start3A_245 = tpu.memref_slice %arg9[%dma_start3A_242, %dma_start3A_244] : memref<2x40xi32, #tpu.memory_space<vmem>> -> memref<1x40xi32, #tpu.memory_space<vmem>>
          %dma_start3A_246 = tpu.memref_squeeze %dma_start3A_245 : memref<1x40xi32, #tpu.memory_space<vmem>> -> memref<40xi32, #tpu.memory_space<vmem>>
          %dma_start3A_247 = arith.constant 0 : i32
          %dma_start3A_248 = arith.constant 0 : i32
          %dma_start3A_249 = tpu.memref_slice %arg2[%dma_start3A_247, %dma_start3A_248] : memref<10000x128xi32, #tpu.memory_space<hbm>> -> memref<10000x128xi32, #tpu.memory_space<hbm>>
          %dma_start3A_250 = tpu.memref_slice %arg23[%dma_start3A_243] : memref<2x!tpu.dma_semaphore, #tpu.memory_space<semaphore_mem>> -> memref<1x!tpu.dma_semaphore, #tpu.memory_space<semaphore_mem>>
          %dma_start3A_251 = tpu.memref_squeeze %dma_start3A_250 : memref<1x!tpu.dma_semaphore, #tpu.memory_space<semaphore_mem>> -> memref<!tpu.dma_semaphore, #tpu.memory_space<semaphore_mem>>
          tpu.enqueue_indirect_dma source(%dma_start3A_249 : memref<10000x128xi32, #tpu.memory_space<hbm>>) target(%arg13 : memref<40x128xi32, #tpu.memory_space<vmem>>) offsets(%dma_start3A_246 : memref<40xi32, #tpu.memory_space<vmem>>) semaphore(%dma_start3A_251 : memref<!tpu.dma_semaphore, #tpu.memory_space<semaphore_mem>>)
          %dma_start3A_252 = arith.constant 1 : i32
          %dma_start3A_253 = arith.constant 0 : i32
          %dma_start3A_254 = arith.constant 0 : i32
          %dma_start3A_255 = tpu.memref_slice %arg9[%dma_start3A_252, %dma_start3A_254] : memref<2x40xi32, #tpu.memory_space<vmem>> -> memref<1x40xi32, #tpu.memory_space<vmem>>
          %dma_start3A_256 = tpu.memref_squeeze %dma_start3A_255 : memref<1x40xi32, #tpu.memory_space<vmem>> -> memref<40xi32, #tpu.memory_space<vmem>>
          %dma_start3A_257 = arith.constant 0 : i32
          %dma_start3A_258 = arith.constant 0 : i32
          %dma_start3A_259 = tpu.memref_slice %arg3[%dma_start3A_257, %dma_start3A_258] : memref<10000x128xi32, #tpu.memory_space<hbm>> -> memref<10000x128xi32, #tpu.memory_space<hbm>>
          %dma_start3A_260 = tpu.memref_slice %arg24[%dma_start3A_253] : memref<2x!tpu.dma_semaphore, #tpu.memory_space<semaphore_mem>> -> memref<1x!tpu.dma_semaphore, #tpu.memory_space<semaphore_mem>>
          %dma_start3A_261 = tpu.memref_squeeze %dma_start3A_260 : memref<1x!tpu.dma_semaphore, #tpu.memory_space<semaphore_mem>> -> memref<!tpu.dma_semaphore, #tpu.memory_space<semaphore_mem>>
          tpu.enqueue_indirect_dma source(%dma_start3A_259 : memref<10000x128xi32, #tpu.memory_space<hbm>>) target(%arg15 : memref<40x128xi32, #tpu.memory_space<vmem>>) offsets(%dma_start3A_256 : memref<40xi32, #tpu.memory_space<vmem>>) semaphore(%dma_start3A_261 : memref<!tpu.dma_semaphore, #tpu.memory_space<semaphore_mem>>)
          %mul3A_262 = arith.constant 40 : i32
          %mul3A_263 = arith.muli %add3A_241, %mul3A_262 : i32
          %add3A_264 = arith.addi %mul3A_2, %mul3A_263 : i32
          %dma_start3A_265 = arith.constant 0 : i32
          %dma_start3A_266 = arith.constant 0 : i32
          %dma_start3A_267 = tpu.memref_slice %arg4[%add3A_264, %dma_start3A_266] : memref<320000x128xi32, #tpu.memory_space<hbm>> -> memref<40x128xi32, #tpu.memory_space<hbm>>
          %dma_start3A_268 = tpu.memref_slice %arg25[%dma_start3A_265] : memref<2x!tpu.dma_semaphore, #tpu.memory_space<semaphore_mem>> -> memref<1x!tpu.dma_semaphore, #tpu.memory_space<semaphore_mem>>
          %dma_start3A_269 = tpu.memref_squeeze %dma_start3A_268 : memref<1x!tpu.dma_semaphore, #tpu.memory_space<semaphore_mem>> -> memref<!tpu.dma_semaphore, #tpu.memory_space<semaphore_mem>>
          %dma_start3A_270 = arith.constant 0 : i32
          %dma_start3A_271 = tpu.memref_slice %arg4[%add3A_264, %dma_start3A_270] : memref<320000x128xi32, #tpu.memory_space<hbm>> -> memref<40x128xi32, #tpu.memory_space<hbm>>
          tpu.enqueue_dma source(%dma_start3A_271 : memref<40x128xi32, #tpu.memory_space<hbm>>) target(%arg17 : memref<40x128xi32, #tpu.memory_space<vmem>>) target_semaphore(%dma_start3A_269 : memref<!tpu.dma_semaphore, #tpu.memory_space<semaphore_mem>>)
        } else {
        }
        %parallel_loop3A = arith.constant 0 : i32
        %parallel_loop3A_194 = arith.constant 320 : i32
        %parallel_loop3A_195 = arith.constant 1 : i32
        %parallel_loop3A_196 = arith.constant -65536 : i32
        scf.for %parallel_loop3A_211 = %parallel_loop3A to %parallel_loop3A_194 step %parallel_loop3A_195  : i32 {
          %parallel_loop3A_212 = arith.constant 3 : i32
          %parallel_loop3A_213 = arith.shrui %parallel_loop3A_211, %parallel_loop3A_212 : i32
          %parallel_loop3A_214 = arith.constant 7 : i32
          %parallel_loop3A_215 = arith.andi %parallel_loop3A_211, %parallel_loop3A_214 : i32
          %parallel_loop3A_216 = arith.constant 16 : i32
          %parallel_loop3A_217 = arith.muli %parallel_loop3A_216, %parallel_loop3A_215 : i32
          %parallel_loop3A_218 = arith.index_cast %parallel_loop3A_213 : i32 to index
          %parallel_loop3A_219 = arith.index_cast %parallel_loop3A_217 : i32 to index
          %parallel_loop3A_220 = tpu.vector_load %arg14[%parallel_loop3A_218, %parallel_loop3A_219] {strides = array<i32>} : memref<40x128xi32, #tpu.memory_space<vmem>>, vector<1x16xi32>,
          %parallel_loop3A_221 = vector.shape_cast %parallel_loop3A_220 : vector<1x16xi32> to vector<16xi32>
          %parallel_loop3A_222 = arith.index_cast %parallel_loop3A_213 : i32 to index
          %parallel_loop3A_223 = arith.index_cast %parallel_loop3A_217 : i32 to index
          %parallel_loop3A_224 = tpu.vector_load %arg16[%parallel_loop3A_222, %parallel_loop3A_223] {strides = array<i32>} : memref<40x128xi32, #tpu.memory_space<vmem>>, vector<1x16xi32>,
          %parallel_loop3A_225 = vector.shape_cast %parallel_loop3A_224 : vector<1x16xi32> to vector<16xi32>
          %parallel_loop3A_226 = arith.index_cast %parallel_loop3A_213 : i32 to index
          %parallel_loop3A_227 = arith.index_cast %parallel_loop3A_217 : i32 to index
          %parallel_loop3A_228 = tpu.vector_load %arg18[%parallel_loop3A_226, %parallel_loop3A_227] {strides = array<i32>} : memref<40x128xi32, #tpu.memory_space<vmem>>, vector<1x16xi32>,
          %parallel_loop3A_229 = vector.shape_cast %parallel_loop3A_228 : vector<1x16xi32> to vector<16xi32>
          %parallel_loop3A_230 = arith.constant 16 : i32
          %parallel_loop3A_231 = vector.broadcast %parallel_loop3A_230 : i32 to vector<16xi32>
          %parallel_loop3A_232 = arith.shli %parallel_loop3A_221, %parallel_loop3A_231 : vector<16xi32>
          %parallel_loop3A_233 = tpu.bitcast %parallel_loop3A_232 : vector<16xi32> -> vector<16xf32>
          %parallel_loop3A_234 = arith.constant 16 : i32
          %parallel_loop3A_235 = vector.broadcast %parallel_loop3A_234 : i32 to vector<16xi32>
          %parallel_loop3A_236 = arith.shli %parallel_loop3A_225, %parallel_loop3A_235 : vector<16xi32>
          %parallel_loop3A_237 = tpu.bitcast %parallel_loop3A_236 : vector<16xi32> -> vector<16xf32>
          %parallel_loop3A_238 = arith.addf %parallel_loop3A_233, %parallel_loop3A_237 : vector<16xf32>
          %parallel_loop3A_239 = arith.constant 16 : i32
          %parallel_loop3A_240 = vector.broadcast %parallel_loop3A_239 : i32 to vector<16xi32>
          %parallel_loop3A_241 = arith.shli %parallel_loop3A_229, %parallel_loop3A_240 : vector<16xi32>
          %parallel_loop3A_242 = tpu.bitcast %parallel_loop3A_241 : vector<16xi32> -> vector<16xf32>
          %parallel_loop3A_243 = arith.addf %parallel_loop3A_238, %parallel_loop3A_242 : vector<16xf32>
          %parallel_loop3A_244 = vector.broadcast %parallel_loop3A_196 : i32 to vector<16xi32>
          %parallel_loop3A_245 = arith.andi %parallel_loop3A_221, %parallel_loop3A_244 : vector<16xi32>
          %parallel_loop3A_246 = tpu.bitcast %parallel_loop3A_245 : vector<16xi32> -> vector<16xf32>
          %parallel_loop3A_247 = vector.broadcast %parallel_loop3A_196 : i32 to vector<16xi32>
          %parallel_loop3A_248 = arith.andi %parallel_loop3A_225, %parallel_loop3A_247 : vector<16xi32>
          %parallel_loop3A_249 = tpu.bitcast %parallel_loop3A_248 : vector<16xi32> -> vector<16xf32>
          %parallel_loop3A_250 = arith.addf %parallel_loop3A_246, %parallel_loop3A_249 : vector<16xf32>
          %parallel_loop3A_251 = vector.broadcast %parallel_loop3A_196 : i32 to vector<16xi32>
          %parallel_loop3A_252 = arith.andi %parallel_loop3A_229, %parallel_loop3A_251 : vector<16xi32>
          %parallel_loop3A_253 = tpu.bitcast %parallel_loop3A_252 : vector<16xi32> -> vector<16xf32>
          %parallel_loop3A_254 = arith.addf %parallel_loop3A_250, %parallel_loop3A_253 : vector<16xf32>
          %parallel_loop3A_255 = math.exp %parallel_loop3A_243 : vector<16xf32>
          %parallel_loop3A_256 = arith.constant 1.000000e+00 : f32
          %parallel_loop3A_257 = vector.broadcast %parallel_loop3A_256 : f32 to vector<16xf32>
          %parallel_loop3A_258 = arith.addf %parallel_loop3A_257, %parallel_loop3A_255 : vector<16xf32>
          %parallel_loop3A_259 = arith.constant 1.000000e+00 : f32
          %parallel_loop3A_260 = vector.broadcast %parallel_loop3A_259 : f32 to vector<16xf32>
          %parallel_loop3A_261 = arith.divf %parallel_loop3A_260, %parallel_loop3A_258 : vector<16xf32>
          %parallel_loop3A_262 = arith.constant 0.000000e+00 : f32
          %parallel_loop3A_263 = vector.broadcast %parallel_loop3A_262 : f32 to vector<16xf32>
          %parallel_loop3A_264 = arith.maximumf %parallel_loop3A_254, %parallel_loop3A_263 : vector<16xf32>
          %parallel_loop3A_265 = arith.mulf %parallel_loop3A_261, %parallel_loop3A_264 : vector<16xf32>
          %parallel_loop3A_266 = arith.index_cast %parallel_loop3A_213 : i32 to index
          %parallel_loop3A_267 = arith.index_cast %parallel_loop3A_217 : i32 to index
          %parallel_loop3A_268 = tpu.vector_load %arg20[%parallel_loop3A_266, %parallel_loop3A_267] {strides = array<i32>} : memref<40x128xf32, #tpu.memory_space<vmem>>, vector<1x16xf32>,
          %parallel_loop3A_269 = vector.shape_cast %parallel_loop3A_268 : vector<1x16xf32> to vector<16xf32>
          %parallel_loop3A_270 = vector.shape_cast %parallel_loop3A_265 : vector<16xf32> to vector<1x16xf32>
          tpu.vector_store %arg20[%parallel_loop3A_266, %parallel_loop3A_267], %parallel_loop3A_270 {strides = array<i32>} : memref<40x128xf32, #tpu.memory_space<vmem>>, vector<1x16xf32>,
        } {sc.loop_unroll_factor = 4 : i64, sc.parallel_access}
        %mul3A_197 = arith.constant 40 : i32
        %mul3A_198 = arith.muli %scan3A_128, %mul3A_197 : i32
        %add3A_199 = arith.addi %mul3A_2, %mul3A_198 : i32
        %dma_wait3A_200 = arith.constant 1 : i32
        %dma_wait3A_201 = tpu.memref_slice %arg5[%add3A_199] : memref<320000xi32, #tpu.memory_space<hbm>> -> memref<40xi32, #tpu.memory_space<hbm>>
        %dma_wait3A_202 = tpu.memref_slice %arg27[%dma_wait3A_200] : memref<2x!tpu.dma_semaphore, #tpu.memory_space<semaphore_mem>> -> memref<1x!tpu.dma_semaphore, #tpu.memory_space<semaphore_mem>>
        %dma_wait3A_203 = tpu.memref_squeeze %dma_wait3A_202 : memref<1x!tpu.dma_semaphore, #tpu.memory_space<semaphore_mem>> -> memref<!tpu.dma_semaphore, #tpu.memory_space<semaphore_mem>>
        %dma_wait3A_204 = tpu.memref_slice %arg5[%add3A_199] : memref<320000xi32, #tpu.memory_space<hbm>> -> memref<40xi32, #tpu.memory_space<hbm>>
        tpu.wait_dma2 semaphore(%dma_wait3A_203 : memref<!tpu.dma_semaphore, #tpu.memory_space<semaphore_mem>>) src(%dma_wait3A_204 : memref<40xi32, #tpu.memory_space<hbm>>) dst(%arg12 : memref<40xi32, #tpu.memory_space<vmem>>)
        %dma_start3A_205 = arith.constant 1 : i32
        %dma_start3A_206 = arith.constant 0 : i32
        %dma_start3A_207 = arith.constant 0 : i32
        %dma_start3A_208 = tpu.memref_slice %arg21[%dma_start3A_206, %dma_start3A_207] : memref<10240x128xf32, #tpu.memory_space<vmem_shared>> -> memref<10240x128xf32, #tpu.memory_space<vmem_shared>>
        %dma_start3A_209 = tpu.memref_slice %arg26[%dma_start3A_205] : memref<2x!tpu.dma_semaphore, #tpu.memory_space<semaphore_mem>> -> memref<1x!tpu.dma_semaphore, #tpu.memory_space<semaphore_mem>>
        %dma_start3A_210 = tpu.memref_squeeze %dma_start3A_209 : memref<1x!tpu.dma_semaphore, #tpu.memory_space<semaphore_mem>> -> memref<!tpu.dma_semaphore, #tpu.memory_space<semaphore_mem>>
        tpu.enqueue_indirect_dma source(%arg20 : memref<40x128xf32, #tpu.memory_space<vmem>>) target(%dma_start3A_208 : memref<10240x128xf32, #tpu.memory_space<vmem_shared>>) offsets(%arg12 : memref<40xi32, #tpu.memory_space<vmem>>) semaphore(%dma_start3A_210 : memref<!tpu.dma_semaphore, #tpu.memory_space<semaphore_mem>>) {add = true}
      } else {
      }
    }
    %scan3A_114 = arith.constant 250 : i32
    %dma_wait3A_115 = arith.constant 0 : i32
    %dma_wait3A_116 = arith.constant 0 : i32
    %dma_wait3A_117 = arith.constant 0 : i32
    %dma_wait3A_118 = tpu.memref_slice %arg21[%dma_wait3A_116, %dma_wait3A_117] : memref<10240x128xf32, #tpu.memory_space<vmem_shared>> -> memref<10240x128xf32, #tpu.memory_space<vmem_shared>>
    %dma_wait3A_119 = tpu.memref_slice %arg26[%dma_wait3A_115] : memref<2x!tpu.dma_semaphore, #tpu.memory_space<semaphore_mem>> -> memref<1x!tpu.dma_semaphore, #tpu.memory_space<semaphore_mem>>
    %dma_wait3A_120 = tpu.memref_squeeze %dma_wait3A_119 : memref<1x!tpu.dma_semaphore, #tpu.memory_space<semaphore_mem>> -> memref<!tpu.dma_semaphore, #tpu.memory_space<semaphore_mem>>
    tpu.wait_indirect_dma semaphore(%dma_wait3A_120 : memref<!tpu.dma_semaphore, #tpu.memory_space<semaphore_mem>>) src(%arg19 : memref<40x128xf32, #tpu.memory_space<vmem>>) dst(%dma_wait3A_118 : memref<10240x128xf32, #tpu.memory_space<vmem_shared>>)
    %dma_wait3A_121 = arith.constant 1 : i32
    %dma_wait3A_122 = arith.constant 0 : i32
    %dma_wait3A_123 = arith.constant 0 : i32
    %dma_wait3A_124 = tpu.memref_slice %arg21[%dma_wait3A_122, %dma_wait3A_123] : memref<10240x128xf32, #tpu.memory_space<vmem_shared>> -> memref<10240x128xf32, #tpu.memory_space<vmem_shared>>
    %dma_wait3A_125 = tpu.memref_slice %arg26[%dma_wait3A_121] : memref<2x!tpu.dma_semaphore, #tpu.memory_space<semaphore_mem>> -> memref<1x!tpu.dma_semaphore, #tpu.memory_space<semaphore_mem>>
    %dma_wait3A_126 = tpu.memref_squeeze %dma_wait3A_125 : memref<1x!tpu.dma_semaphore, #tpu.memory_space<semaphore_mem>> -> memref<!tpu.dma_semaphore, #tpu.memory_space<semaphore_mem>>
    tpu.wait_indirect_dma semaphore(%dma_wait3A_126 : memref<!tpu.dma_semaphore, #tpu.memory_space<semaphore_mem>>) src(%arg20 : memref<40x128xf32, #tpu.memory_space<vmem>>) dst(%dma_wait3A_124 : memref<10240x128xf32, #tpu.memory_space<vmem_shared>>)
    %barrier3A_127 = arith.constant 0 : index
    tpu.barrier barrier_id(%barrier3A_127)
    "tpu.region"() ({
      %run_scoped3A = tpu.sem_alloc : memref<!tpu.dma_semaphore, #tpu.memory_space<semaphore_mem>>
      %dma_start3A_128 = arith.constant 0 : i32
      %dma_start3A_129 = tpu.memref_slice %arg8[%arg0, %mul3A_4, %dma_start3A_128] : memref<2x10240x128xf32, #tpu.memory_space<hbm>> -> memref<1x640x128xf32, #tpu.memory_space<hbm>>
      %dma_start3A_130 = tpu.memref_squeeze %dma_start3A_129 : memref<1x640x128xf32, #tpu.memory_space<hbm>> -> memref<640x128xf32, #tpu.memory_space<hbm>>
      %dma_start3A_131 = arith.constant 0 : i32
      %dma_start3A_132 = tpu.memref_slice %arg21[%mul3A_4, %dma_start3A_131] : memref<10240x128xf32, #tpu.memory_space<vmem_shared>> -> memref<640x128xf32, #tpu.memory_space<vmem_shared>>
      tpu.enqueue_dma source(%dma_start3A_132 : memref<640x128xf32, #tpu.memory_space<vmem_shared>>) target(%dma_start3A_130 : memref<640x128xf32, #tpu.memory_space<hbm>>) target_semaphore(%run_scoped3A : memref<!tpu.dma_semaphore, #tpu.memory_space<semaphore_mem>>)
      %dma_wait3A_133 = arith.constant 0 : i32
      %dma_wait3A_134 = tpu.memref_slice %arg8[%arg0, %mul3A_4, %dma_wait3A_133] : memref<2x10240x128xf32, #tpu.memory_space<hbm>> -> memref<1x640x128xf32, #tpu.memory_space<hbm>>
      %dma_wait3A_135 = tpu.memref_squeeze %dma_wait3A_134 : memref<1x640x128xf32, #tpu.memory_space<hbm>> -> memref<640x128xf32, #tpu.memory_space<hbm>>
      %dma_wait3A_136 = arith.constant 0 : i32
      %dma_wait3A_137 = tpu.memref_slice %arg21[%mul3A_4, %dma_wait3A_136] : memref<10240x128xf32, #tpu.memory_space<vmem_shared>> -> memref<640x128xf32, #tpu.memory_space<vmem_shared>>
      tpu.wait_dma2 semaphore(%run_scoped3A : memref<!tpu.dma_semaphore, #tpu.memory_space<semaphore_mem>>) src(%dma_wait3A_137 : memref<640x128xf32, #tpu.memory_space<vmem_shared>>) dst(%dma_wait3A_135 : memref<640x128xf32, #tpu.memory_space<hbm>>)
      tpu.yield
    }) : () -> ()
    return
  }
}

module attributes {stable_mosaic.version = 14 : i64} {
  func.func @body(%arg0: i32, %arg1: memref<16000x16xf32, #tpu.memory_space<vmem>>, %arg2: memref<16x256xf32, #tpu.memory_space<vmem>>, %arg3: memref<16000x128xi32, #tpu.memory_space<vmem>>) attributes {dimension_semantics = [#tpu.dimension_semantics<arbitrary>], iteration_bounds = array<i64: 20>, scalar_prefetch = 0 : i64, scratch_operands = 0 : i64, tpu.core_type = #tpu.core_type<tc>, window_params = [{transform_indices = @transform_0, window_bounds = array<i64: 16000, 16>}, {pipeline_mode = #tpu.pipeline_mode<synchronous>, transform_indices = @transform_1, window_bounds = array<i64: 16, 256>}, {transform_indices = @transform_2, window_bounds = array<i64: 16000, 128>}]} {
    %get3A = arith.constant 0 : index
    %get3A_0 = arith.constant 0 : index
    %get3A_1 = vector.load %arg1[%get3A, %get3A_0] : memref<16000x16xf32, #tpu.memory_space<vmem>>, vector<16000x16xf32>
    %get3A_2 = arith.constant 0 : index
    %get3A_3 = arith.constant 0 : index
    %get3A_4 = vector.load %arg2[%get3A_2, %get3A_3] : memref<16x256xf32, #tpu.memory_space<vmem>>, vector<16x256xf32>
    %dot_general3A = arith.constant dense<0.000000e+00> : vector<16000x256xf32>
    %dot_general3A_5 = tpu.matmul %get3A_1, %get3A_4, %dot_general3A {dimension_numbers = #tpu.dot_dimension_numbers<[1], [0], [0], [1], [0, 0, 1, 1], [], []>, transpose_lhs_hint = false} : vector<16000x16xf32>, vector<16x256xf32>, vector<16000x256xf32> -> vector<16000x256xf32>
    %slice3A = vector.extract_strided_slice %dot_general3A_5 {offsets = [0, 0], sizes = [16000, 128], strides = [1, 1]} : vector<16000x256xf32> to vector<16000x128xf32>
    %convert_element_type3A = arith.truncf %slice3A : vector<16000x128xf32> to vector<16000x128xbf16>
    %bitcast_convert_type3A = tpu.bitcast %convert_element_type3A : vector<16000x128xbf16> -> vector<16000x128xi16>
    %convert_element_type3A_6 = arith.extui %bitcast_convert_type3A : vector<16000x128xi16> to vector<16000x128xi32>
    %slice3A_7 = vector.extract_strided_slice %dot_general3A_5 {offsets = [0, 128], sizes = [16000, 128], strides = [1, 1]} : vector<16000x256xf32> to vector<16000x128xf32>
    %convert_element_type3A_8 = arith.truncf %slice3A_7 : vector<16000x128xf32> to vector<16000x128xbf16>
    %bitcast_convert_type3A_9 = tpu.bitcast %convert_element_type3A_8 : vector<16000x128xbf16> -> vector<16000x128xi16>
    %convert_element_type3A_10 = arith.extui %bitcast_convert_type3A_9 : vector<16000x128xi16> to vector<16000x128xi32>
    %shift_left3A = arith.constant 16 : i32
    %shift_left3A_11 = vector.broadcast %shift_left3A : i32 to vector<16000x128xi32>
    %shift_left3A_12 = arith.shli %convert_element_type3A_10, %shift_left3A_11 : vector<16000x128xi32>
    %or3A = arith.ori %shift_left3A_12, %convert_element_type3A_6 : vector<16000x128xi32>
    %swap3A = arith.constant 0 : index
    %swap3A_13 = arith.constant 0 : index
    %swap3A_14 = vector.load %arg3[%swap3A, %swap3A_13] : memref<16000x128xi32, #tpu.memory_space<vmem>>, vector<16000x128xi32>
    tpu.vector_store %arg3[%swap3A, %swap3A_13], %or3A {strides = array<i32>} : memref<16000x128xi32, #tpu.memory_space<vmem>>, vector<16000x128xi32>,
    return
  }
  func.func @transform_0(%arg0: i32) -> (i32, i32) {
    %c0_i32 = arith.constant 0 : i32
    %c0_i32_0 = arith.constant 0 : i32
    return %arg0, %c0_i32 : i32, i32
  }
  func.func @transform_1(%arg0: i32) -> (i32, i32) {
    %c0_i32 = arith.constant 0 : i32
    %c0_i32_0 = arith.constant 0 : i32
    %c0_i32_1 = arith.constant 0 : i32
    return %c0_i32, %c0_i32_0 : i32, i32
  }
  func.func @transform_2(%arg0: i32) -> (i32, i32) {
    %c0_i32 = arith.constant 0 : i32
    %c0_i32_0 = arith.constant 0 : i32
    return %arg0, %c0_i32 : i32, i32
  }
}

module attributes {stable_mosaic.version = 14 : i64} {
  func.func @body(%arg0: i32, %arg1: memref<1000x128xf32, #tpu.memory_space<vmem>>, %arg2: memref<128x256xf32, #tpu.memory_space<vmem>>, %arg3: memref<128x256xf32, #tpu.memory_space<vmem>>, %arg4: memref<1x256xf32, #tpu.memory_space<vmem>>, %arg5: memref<1000x128xi32, #tpu.memory_space<vmem>>, %arg6: memref<1000x128xi32, #tpu.memory_space<vmem>>) attributes {dimension_semantics = [#tpu.dimension_semantics<arbitrary>], iteration_bounds = array<i64: 10>, scalar_prefetch = 0 : i64, scratch_operands = 0 : i64, tpu.core_type = #tpu.core_type<tc>, window_params = [{transform_indices = @transform_0, window_bounds = array<i64: 1000, 128>}, {pipeline_mode = #tpu.pipeline_mode<synchronous>, transform_indices = @transform_1, window_bounds = array<i64: 128, 256>}, {pipeline_mode = #tpu.pipeline_mode<synchronous>, transform_indices = @transform_2, window_bounds = array<i64: 128, 256>}, {pipeline_mode = #tpu.pipeline_mode<synchronous>, transform_indices = @transform_3, window_bounds = array<i64: 1, 256>}, {transform_indices = @transform_4, window_bounds = array<i64: 1000, 128>}, {transform_indices = @transform_5, window_bounds = array<i64: 1000, 128>}]} {
    %get3A = arith.constant 0 : index
    %get3A_0 = arith.constant 0 : index
    %get3A_1 = vector.load %arg1[%get3A, %get3A_0] : memref<1000x128xf32, #tpu.memory_space<vmem>>, vector<1000x128xf32>
    %get3A_2 = arith.constant 0 : index
    %get3A_3 = arith.constant 0 : index
    %get3A_4 = vector.load %arg2[%get3A_2, %get3A_3] : memref<128x256xf32, #tpu.memory_space<vmem>>, vector<128x256xf32>
    %dot_general3A = arith.constant dense<0.000000e+00> : vector<1000x256xf32>
    %dot_general3A_5 = tpu.matmul %get3A_1, %get3A_4, %dot_general3A {dimension_numbers = #tpu.dot_dimension_numbers<[1], [0], [0], [1], [0, 0, 1, 1], [], []>, transpose_lhs_hint = false} : vector<1000x128xf32>, vector<128x256xf32>, vector<1000x256xf32> -> vector<1000x256xf32>
    %get3A_6 = arith.constant 0 : index
    %get3A_7 = arith.constant 0 : index
    %get3A_8 = vector.load %arg4[%get3A_6, %get3A_7] : memref<1x256xf32, #tpu.memory_space<vmem>>, vector<1x256xf32>
    %add3A = vector.broadcast %get3A_8 : vector<1x256xf32> to vector<1000x256xf32>
    %add3A_9 = arith.addf %dot_general3A_5, %add3A : vector<1000x256xf32>
    %slice3A = vector.extract_strided_slice %add3A_9 {offsets = [0, 0], sizes = [1000, 128], strides = [1, 1]} : vector<1000x256xf32> to vector<1000x128xf32>
    %convert_element_type3A = arith.truncf %slice3A : vector<1000x128xf32> to vector<1000x128xbf16>
    %bitcast_convert_type3A = tpu.bitcast %convert_element_type3A : vector<1000x128xbf16> -> vector<1000x128xi16>
    %convert_element_type3A_10 = arith.extui %bitcast_convert_type3A : vector<1000x128xi16> to vector<1000x128xi32>
    %slice3A_11 = vector.extract_strided_slice %add3A_9 {offsets = [0, 128], sizes = [1000, 128], strides = [1, 1]} : vector<1000x256xf32> to vector<1000x128xf32>
    %convert_element_type3A_12 = arith.truncf %slice3A_11 : vector<1000x128xf32> to vector<1000x128xbf16>
    %bitcast_convert_type3A_13 = tpu.bitcast %convert_element_type3A_12 : vector<1000x128xbf16> -> vector<1000x128xi16>
    %convert_element_type3A_14 = arith.extui %bitcast_convert_type3A_13 : vector<1000x128xi16> to vector<1000x128xi32>
    %shift_left3A = arith.constant 16 : i32
    %shift_left3A_15 = vector.broadcast %shift_left3A : i32 to vector<1000x128xi32>
    %shift_left3A_16 = arith.shli %convert_element_type3A_14, %shift_left3A_15 : vector<1000x128xi32>
    %or3A = arith.ori %shift_left3A_16, %convert_element_type3A_10 : vector<1000x128xi32>
    %swap3A = arith.constant 0 : index
    %swap3A_17 = arith.constant 0 : index
    %swap3A_18 = vector.load %arg5[%swap3A, %swap3A_17] : memref<1000x128xi32, #tpu.memory_space<vmem>>, vector<1000x128xi32>
    tpu.vector_store %arg5[%swap3A, %swap3A_17], %or3A {strides = array<i32>} : memref<1000x128xi32, #tpu.memory_space<vmem>>, vector<1000x128xi32>,
    %get3A_19 = arith.constant 0 : index
    %get3A_20 = arith.constant 0 : index
    %get3A_21 = vector.load %arg3[%get3A_19, %get3A_20] : memref<128x256xf32, #tpu.memory_space<vmem>>, vector<128x256xf32>
    %dot_general3A_22 = arith.constant dense<0.000000e+00> : vector<1000x256xf32>
    %dot_general3A_23 = tpu.matmul %get3A_1, %get3A_21, %dot_general3A_22 {dimension_numbers = #tpu.dot_dimension_numbers<[1], [0], [0], [1], [0, 0, 1, 1], [], []>, transpose_lhs_hint = false} : vector<1000x128xf32>, vector<128x256xf32>, vector<1000x256xf32> -> vector<1000x256xf32>
    %slice3A_24 = vector.extract_strided_slice %dot_general3A_23 {offsets = [0, 0], sizes = [1000, 128], strides = [1, 1]} : vector<1000x256xf32> to vector<1000x128xf32>
    %convert_element_type3A_25 = arith.truncf %slice3A_24 : vector<1000x128xf32> to vector<1000x128xbf16>
    %bitcast_convert_type3A_26 = tpu.bitcast %convert_element_type3A_25 : vector<1000x128xbf16> -> vector<1000x128xi16>
    %convert_element_type3A_27 = arith.extui %bitcast_convert_type3A_26 : vector<1000x128xi16> to vector<1000x128xi32>
    %slice3A_28 = vector.extract_strided_slice %dot_general3A_23 {offsets = [0, 128], sizes = [1000, 128], strides = [1, 1]} : vector<1000x256xf32> to vector<1000x128xf32>
    %convert_element_type3A_29 = arith.truncf %slice3A_28 : vector<1000x128xf32> to vector<1000x128xbf16>
    %bitcast_convert_type3A_30 = tpu.bitcast %convert_element_type3A_29 : vector<1000x128xbf16> -> vector<1000x128xi16>
    %convert_element_type3A_31 = arith.extui %bitcast_convert_type3A_30 : vector<1000x128xi16> to vector<1000x128xi32>
    %shift_left3A_32 = arith.constant 16 : i32
    %shift_left3A_33 = vector.broadcast %shift_left3A_32 : i32 to vector<1000x128xi32>
    %shift_left3A_34 = arith.shli %convert_element_type3A_31, %shift_left3A_33 : vector<1000x128xi32>
    %or3A_35 = arith.ori %shift_left3A_34, %convert_element_type3A_27 : vector<1000x128xi32>
    %swap3A_36 = arith.constant 0 : index
    %swap3A_37 = arith.constant 0 : index
    %swap3A_38 = vector.load %arg6[%swap3A_36, %swap3A_37] : memref<1000x128xi32, #tpu.memory_space<vmem>>, vector<1000x128xi32>
    tpu.vector_store %arg6[%swap3A_36, %swap3A_37], %or3A_35 {strides = array<i32>} : memref<1000x128xi32, #tpu.memory_space<vmem>>, vector<1000x128xi32>,
    return
  }
  func.func @transform_0(%arg0: i32) -> (i32, i32) {
    %c0_i32 = arith.constant 0 : i32
    %c0_i32_0 = arith.constant 0 : i32
    return %arg0, %c0_i32 : i32, i32
  }
  func.func @transform_1(%arg0: i32) -> (i32, i32) {
    %c0_i32 = arith.constant 0 : i32
    %c0_i32_0 = arith.constant 0 : i32
    %c0_i32_1 = arith.constant 0 : i32
    return %c0_i32, %c0_i32_0 : i32, i32
  }
  func.func @transform_2(%arg0: i32) -> (i32, i32) {
    %c0_i32 = arith.constant 0 : i32
    %c0_i32_0 = arith.constant 0 : i32
    %c0_i32_1 = arith.constant 0 : i32
    return %c0_i32, %c0_i32_0 : i32, i32
  }
  func.func @transform_3(%arg0: i32) -> (i32, i32) {
    %c0_i32 = arith.constant 0 : i32
    %c0_i32_0 = arith.constant 0 : i32
    %c0_i32_1 = arith.constant 0 : i32
    return %c0_i32, %c0_i32_0 : i32, i32
  }
  func.func @transform_4(%arg0: i32) -> (i32, i32) {
    %c0_i32 = arith.constant 0 : i32
    %c0_i32_0 = arith.constant 0 : i32
    return %arg0, %c0_i32 : i32, i32
  }
  func.func @transform_5(%arg0: i32) -> (i32, i32) {
    %c0_i32 = arith.constant 0 : i32
    %c0_i32_0 = arith.constant 0 : i32
    return %arg0, %c0_i32 : i32, i32
  }
}

module attributes {stable_mosaic.version = 14 : i64} {
  func.func @body(%arg0: i32, %arg1: memref<1000x128xf32, #tpu.memory_space<vmem>>, %arg2: memref<2x1000x128xf32, #tpu.memory_space<vmem>>, %arg3: memref<1000x128xf32, #tpu.memory_space<vmem>>) attributes {dimension_semantics = [#tpu.dimension_semantics<arbitrary>], iteration_bounds = array<i64: 10>, scalar_prefetch = 0 : i64, scratch_operands = 0 : i64, tpu.core_type = #tpu.core_type<tc>, window_params = [{transform_indices = @transform_0, window_bounds = array<i64: 1000, 128>}, {transform_indices = @transform_1, window_bounds = array<i64: 2, 1000, 128>}, {transform_indices = @transform_2, window_bounds = array<i64: 1000, 128>}]} {
    %get3A = arith.constant 0 : index
    %get3A_0 = arith.constant 0 : index
    %get3A_1 = vector.load %arg1[%get3A, %get3A_0] : memref<1000x128xf32, #tpu.memory_space<vmem>>, vector<1000x128xf32>
    %get3A_2 = arith.constant 0 : index
    %get3A_3 = arith.constant 0 : index
    %get3A_4 = arith.constant 0 : index
    %get3A_5 = vector.load %arg2[%get3A_2, %get3A_3, %get3A_4] : memref<2x1000x128xf32, #tpu.memory_space<vmem>>, vector<1x1000x128xf32>
    %get3A_6 = vector.shape_cast %get3A_5 : vector<1x1000x128xf32> to vector<1000x128xf32>
    %add3A = arith.addf %get3A_1, %get3A_6 : vector<1000x128xf32>
    %get3A_7 = arith.constant 1 : index
    %get3A_8 = arith.constant 0 : index
    %get3A_9 = arith.constant 0 : index
    %get3A_10 = vector.load %arg2[%get3A_7, %get3A_8, %get3A_9] : memref<2x1000x128xf32, #tpu.memory_space<vmem>>, vector<1x1000x128xf32>
    %get3A_11 = vector.shape_cast %get3A_10 : vector<1x1000x128xf32> to vector<1000x128xf32>
    %add3A_12 = arith.addf %add3A, %get3A_11 : vector<1000x128xf32>
    %swap3A = arith.constant 0 : index
    %swap3A_13 = arith.constant 0 : index
    %swap3A_14 = vector.load %arg3[%swap3A, %swap3A_13] : memref<1000x128xf32, #tpu.memory_space<vmem>>, vector<1000x128xf32>
    tpu.vector_store %arg3[%swap3A, %swap3A_13], %add3A_12 {strides = array<i32>} : memref<1000x128xf32, #tpu.memory_space<vmem>>, vector<1000x128xf32>,
    return
  }
  func.func @transform_0(%arg0: i32) -> (i32, i32) {
    %c0_i32 = arith.constant 0 : i32
    %c0_i32_0 = arith.constant 0 : i32
    return %arg0, %c0_i32 : i32, i32
  }
  func.func @transform_1(%arg0: i32) -> (i32, i32, i32) {
    %c0_i32 = arith.constant 0 : i32
    %c0_i32_0 = arith.constant 0 : i32
    %c0_i32_1 = arith.constant 0 : i32
    return %c0_i32, %arg0, %c0_i32_0 : i32, i32, i32
  }
  func.func @transform_2(%arg0: i32) -> (i32, i32) {
    %c0_i32 = arith.constant 0 : i32
    %c0_i32_0 = arith.constant 0 : i32
    return %arg0, %c0_i32 : i32, i32
  }
}

</mosaic_0001>

<sc_bundles>
// kernel: kernel.6.cloned.1.call-start
scs
__scs_entry_jumppad:
0x0: {  	(pc) =	sbr.rel $0x88, $3  }
0x1: {  	(tag) =	ssettag $0x0;
	lr =	simm.s32 $0x1  }
0x2: {  	[smem:$0x3F99] =	sst lr;
	_ =	strace $0xD0000000  }
0x3: {  	_ = 	snop  }
0x4: {  	_ = 	snop  }
0x5: {  	_ = 	snop  }
0x6: {  	_ = 	snop  }
0x7: {  	_ = 	snop  }
__scs_overlays_trampoline_lowered:
0x8: {  	[smem:$0x3FA8] =	sst s0  }
0x9: {  	[smem:$0x3FA9] =	sst s1  }
0xa: {  	[smem:$0x3FAA] =	sst s2  }
0xb: {  	[smem:$0x3FAB] =	sst s3  }
0xc: {  	[smem:$0x3FAC] =	sst s4  }
0xd: {  	[smem:$0x3FAD] =	sst s5  }
0xe: {  	[smem:$0x3FAE] =	sst s6  }
0xf: {  	[smem:$0x3FAF] =	sst s7  }
0x10: {  	[smem:$0x3FB0] =	sst s8  }
0x11: {  	[smem:$0x3FB1] =	sst s9;
	s0 =	simm.s32 @!p0 $0x0  }
0x12: {  	s1 =	sld [smem:$0x3F97];
	s0 =	simm.s32 @p0 $0x1  }
0x13: {  	[smem:$0x3FB2] =	sst s0;
	s0 =	simm.s32 @!p1 $0x0  }
0x14: {  	s2 =	sld [smem:$0x3F96];
	s0 =	simm.s32 @p1 $0x1  }
0x15: {  	[smem:$0x3FB3] =	sst s0;
	s0 =	simm.s32 @!p2 $0x0  }
0x16: {  	s3 =	sld [smem:$0x3FDB];
	s0 =	simm.s32 @p2 $0x1  }
0x17: {  	s4 =	simm.s32 $0x1BF5;
	[smem:$0x3FB5] =	sst s0  }
0x18: {  	s0 =	sld [smem:$0x3F98];
	_ =	swait.ge [sflag:s4], $0x0  }
0x19: {  	s7 =	sld [smem:$0x3F99]  }
0x1a: {  	s8 =	sadd.s32 $0xFFFFE003, lr  }
0x1b: {  	s9 =	sadd.s32 $0xFFFFFEF7, lr;
	s5 =	simm.s32 $0xFFFFFFFF;
	p2 =	slt.u32 s8, $0xFFFFF086  }
0x1c: {  	p1 =	slt.u32 s9, $0xF7A;
	s5 =	simm.s32 @!p2 $0x0  }
0x1d: {  	s5 =	simm.s32 @p1 $0x1;
	p0 =	seq.s32 s7, s2  }
0x1e: {  	s7 =	smul.u32 @!p0 $0xF7A, s2;
	p2 =	seq.s32 @!p0 s5, $0x0  }
0x1f: {  	s9 =	smul.u32 $0xF7A, s1;
	s8 =	simm.s32 @!p0 $0x1BF5;
	p2 =	por !p2, p0  }
0x20: {  	[sflag:s8] =	ssyncset.s32 @!p0 $0xFFFFF086;
	s6 =	sadd.s32 @!p0 s3, s7;
	s7 =	simm.s32 @!p0 $0x108  }
0x21: {  	s3 =	sadd.s32 s3, s9;
	s6 =	sadd.s32 @!p0 $0x88, s6;
	s7 =	simm.s32 @p2 $0x1082  }
0x22: {  	[simem:s7], [sflag:s8] =	dma.local @!p0 [hbm:s6], $0xF7A  }
0x23: {  	s9 =	sor.u32 $0xD0000000, s2;
	s6 =	simm.s32 $0x108;
	_ =	swait.ge @!p0 [sflag:s8], $0x0  }
0x24: {  	s3 =	sadd.s32 $0x88, s3;
	s6 =	simm.s32 @!p1 $0x1082;
	[sflag:s4] =	ssyncset.s32 $0xFFFFF086  }
0x25: {  	[simem:s6], [sflag:s4] =	dma.local [hbm:s3], $0xF7A  }
0x26: {  	[smem:$0x3F99] =	sst s1;
	(tag) =	ssettag s2;
	_ =	strace s9  }
0x27: {  	s1 =	sld [smem:$0x3FA9]  }
0x28: {  	s2 =	sld [smem:$0x3FAA]  }
0x29: {  	s4 =	sld [smem:$0x3FAC]  }
0x2a: {  	p0 =	seq.s32 s5, $0x0;
	s5 =	sld [smem:$0x3FAD]  }
0x2b: {  	s6 =	sld [smem:$0x3FAE]  }
0x2c: {  	s7 =	sld [smem:$0x3FAF]  }
0x2d: {  	s3 =	simm.s32 $0x108;
	s8 =	sld [smem:$0x3FB0]  }
0x2e: {  	s3 =	simm.s32 @!p0 $0x1082;
	s9 =	sld [smem:$0x3FB1]  }
0x2f: {  	lr =	sadd.s32 s0, s3;
	s0 =	sld [smem:$0x3FA8]  }
0x30: {  	s3 =	sld [smem:$0x3FAB]  }
0x31: {  	[smem:$0x3FB4] =	sst s10  }
0x32: {  	s10 =	sld [smem:$0x3FB2];
	_ =	sdelay $0x3  }
0x33: {  	p0 =	seq.s32 s10, $0x1;
	s10 =	sld [smem:$0x3FB4];
	_ =	sdelay $0x3  }
0x34: {  	[smem:$0x3FB4] =	sst s10  }
0x35: {  	s10 =	sld [smem:$0x3FB3];
	_ =	sdelay $0x3  }
0x36: {  	p1 =	seq.s32 s10, $0x1;
	s10 =	sld [smem:$0x3FB4];
	_ =	sdelay $0x3  }
0x37: {  	[smem:$0x3FB4] =	sst s10  }
0x38: {  	s10 =	sld [smem:$0x3FB5]  }
0x39: {  	_ = 	snop;
	(pc) =	sbr.ind lr, $3  }
0x3a: {  	_ = 	snop  }
0x3b: {  	_ = 	snop  }
0x3c: {  	p2 =	seq.s32 s10, $0x1;
	s10 =	sld [smem:$0x3FB4]  }
0x3d: {  	_ =	shalt  }
0x3e: {  	_ =	shalt  }
0x3f: {  	_ =	shalt  }
0x40: {  	_ =	shalt  }
0x41: {  	_ =	shalt  }
0x42: {  	_ =	shalt  }
0x43: {  	_ =	shalt  }
0x44: {  	_ =	shalt  }
0x45: {  	_ =	shalt  }
0x46: {  	_ =	shalt  }
0x47: {  	_ =	shalt  }
0x48: {  	_ =	shalt  }
0x49: {  	_ =	shalt  }
0x4a: {  	_ =	shalt  }
0x4b: {  	_ =	shalt  }
0x4c: {  	_ =	shalt  }
0x4d: {  	_ =	shalt  }
0x4e: {  	_ =	shalt  }
0x4f: {  	_ =	shalt  }
0x50: {  	_ =	shalt  }
0x51: {  	_ =	shalt  }
0x52: {  	_ =	shalt  }
0x53: {  	_ =	shalt  }
0x54: {  	_ =	shalt  }
0x55: {  	_ =	shalt  }
0x56: {  	_ =	shalt  }
0x57: {  	_ =	shalt  }
0x58: {  	_ =	shalt  }
0x59: {  	_ =	shalt  }
0x5a: {  	_ =	shalt  }
0x5b: {  	_ =	shalt  }
0x5c: {  	_ =	shalt  }
0x5d: {  	_ =	shalt  }
0x5e: {  	_ =	shalt  }
0x5f: {  	_ =	shalt  }
0x60: {  	_ =	shalt  }
0x61: {  	_ =	shalt  }
0x62: {  	_ =	shalt  }
0x63: {  	_ =	shalt  }
0x64: {  	_ =	shalt  }
0x65: {  	_ =	shalt  }
0x66: {  	_ =	shalt  }
0x67: {  	_ =	shalt  }
0x68: {  	_ =	shalt  }
0x69: {  	_ =	shalt  }
0x6a: {  	_ =	shalt  }
0x6b: {  	_ =	shalt  }
0x6c: {  	_ =	shalt  }
0x6d: {  	_ =	shalt  }
0x6e: {  	_ =	shalt  }
0x6f: {  	_ =	shalt  }
0x70: {  	_ =	shalt  }
0x71: {  	_ =	shalt  }
0x72: {  	_ =	shalt  }
0x73: {  	_ =	shalt  }
0x74: {  	_ =	shalt  }
0x75: {  	_ =	shalt  }
0x76: {  	_ =	shalt  }
0x77: {  	_ =	shalt  }
0x78: {  	_ =	shalt  }
0x79: {  	_ =	shalt  }
0x7a: {  	_ =	shalt  }
0x7b: {  	_ =	shalt  }
0x7c: {  	_ =	shalt  }
0x7d: {  	_ =	shalt  }
0x7e: {  	_ =	shalt  }
0x7f: {  	_ =	shalt  }
0x80: {  	_ =	shalt  }
0x81: {  	_ =	shalt  }
0x82: {  	_ =	shalt  }
0x83: {  	_ =	shalt  }
0x84: {  	_ =	shalt  }
0x85: {  	_ =	shalt  }
0x86: {  	_ =	shalt  }
0x87: {  	_ =	shalt  }
.Lfunc_end0:
.L_simem_size_0:
called_computation_lowered:
.L_overlay_start_0:
0x88: {  	s2 =	sld [smem:$0x3FD9]  }
0x89: {  	s3 =	sld [smem:$0x3FFE];
	_ =	sdelay $0x1  }
0x8a: {  	s1 =	srdreg.scid  }
0x8b: {  	s0 =	sand.u32 $0x1, s1  }
0x8c: {  	s17 =	sshll.u32 s0, $0xA;
	s2 =	sadd.s32 s3, s2  }
0x8d: {  	s2 =	sadd.s32 s2, s17  }
0x8e: {  	[smem:$0x3FC0] =	sst s2  }
0x8f: {  	_ = 	snop  }
0x90: {  	s2 =	sld [smem:$0x3FC7]  }
0x91: {  	s18 =	sld [smem:$0x3FC6]  }
0x92: {  	s4 =	sld [smem:$0x3FD0];
	(tm) =	ssettm $0x1  }
0x93: {  	s5 =	sld [smem:$0x3FFB];
	_ =	sdelay $0x3  }
0x94: {  	_ =	strace s5  }
0x95: {  	s5 =	sld [smem:$0x3FFC];
	_ =	sdelay $0x3  }
0x96: {  	_ =	strace s5  }
0x97: {  	s5 =	sld [smem:$0x3FFD];
	_ =	sdelay $0x3  }
0x98: {  	_ =	strace s5  }
0x99: {  	_ =	strace $0x8FFFFFFF  }
0x9a: {  	s19 =	sld [smem:$0x3FDB];
	_ =	sdelay $0x1  }
0x9b: {  	s6 =	simm.s32 $_scs_section_size  }
0x9c: {  	s7 =	simm.s32 $_size__tile_overlayer_lowered;
	s8 =	simm.s32 $_tile_overlayer_lowered  }
0x9d: {  	s22 =	simm.s32 $0x1BFF;
	s21 =	sshll.u32 s8, $0x1;
	s5 =	sadd.s32 s6, s19  }
0x9e: {  	s9 =	simm.s32 $0x0;
	s20 =	sshll.u32 s7, $0x1;
	s7 =	sadd.s32 s21, s5  }
0x9f: {  	[timem:s9], [sflag:s22] =	dma.local [hbm:s7], s20  }
0xa0: {  	_ =	swait.ge [sflag:s22], s20  }
0xa1: {  	s6 =	ssub.s32 $0x0, s20;
	[sflag:s22] =	ssyncset.done $0x0  }
0xa2: {  	[sflag:s22] =	ssyncadd.s32 s6;
	_ =	sdelay $0x1  }
0xa3: {  	s23 =	simm.s32 $0x1B8B  }
0xa4: {  	_ =	swait.ge [sflag:s23], $0x1  }
0xa5: {  	[sflag:s23] =	ssyncset.done $0x0  }
0xa6: {  	s25 =	simm.s32 $0x1B8E;
	s24 =	sld [smem:$0x3FFE];
	[sflag:s23] =	ssyncadd.s32 $0xFFFFFFFF  }
0xa7: {  	s26 =	simm.s32 $execute0_lowered;
	[smem:$0x3FD2] =	sst s25  }
0xa8: {  	s7 =	sshll.u32 s26, $0x1;
	_ =	strace $0x80000046;
	[dreg:$0x1] =	wrdreg $0xFFFFFFFF  }
0xa9: {  	s28 =	simm.s32 $_size_execute0_lowered;
	s5 =	sadd.s32 s5, s7;
	[dreg:$0x0] =	wrdreg $0x0  }
0xaa: {  	s7 =	sshll.u32 s28, $0x1;
	[dreg:$0x2] =	wrdreg s5  }
0xab: {  	[dreg:$0x3] =	wrdreg s7  }
0xac: {  	[dreg:$0x4] =	wrdreg $0xC0  }
0xad: {  	_ =	task [dreg:s9], $0x5FFFF  }
0xae: {  	[dreg:$0x1] =	wrdreg $0xFFFFFFFF  }
0xaf: {  	[dreg:$0x0] =	wrdreg $0x60  }
0xb0: {  	[dreg:$0x2] =	wrdreg s4  }
0xb1: {  	[dreg:$0x3] =	wrdreg s24  }
0xb2: {  	[dreg:$0x4] =	wrdreg s2  }
0xb3: {  	[dreg:$0x5] =	wrdreg s18  }
0xb4: {  	[dreg:$0x6] =	wrdreg $0xA3000  }
0xb5: {  	[dreg:$0x7] =	wrdreg $0x9  }
0xb6: {  	_ =	task.clear_ibuf [dreg:s9], $0x8FFFF;
	_ =	strace $0x90000046  }
0xb7: {  	s29 =	simm.s32 $0x9;
	_ =	strace $0x80000048  }
0xb8: {  	_ =	swait.ge [sflag:s29], $0x1  }
0xb9: {  	[sflag:s29] =	ssyncadd.s32 $0xFFFFFFFF  }
0xba: {  	_ =	strace $0x90000048  }
0xbb: {  	_ =	sfence  }
0xbc: {  	s30 =	sld [smem:$0x0];
	_ =	sdelay $0x2  }
0xbd: {  	s31 =	sshll.u32 s1, $0xD;
	s1 =	sshrl.u32 s1, $0x2  }
0xbe: {  	s3 =	sand.u32 $0x4000, s31;
	s1 =	sadd.s32 s1, s30  }
0xbf: {  	s0 =	sor.u32 s3, s0;
	s1 =	sshll.u32 s1, $0x11  }
0xc0: {  	s0 =	sor.u32 s1, s0  }
0xc1: {  	s0 =	sadd.s32 $0x8F2B, s0  }
0xc2: {  	[sflag:s0] =	ssyncadd.remote.s32 $0x1  }
0xc3: {  	_ =	sfence.sel $0xFFFF  }
0xc4: {  	[dreg:$0x0] =	wrdreg $0xFFFFFFFF;
	(pc) =	sbr.abs _section_cstart, $3  }
0xc5: {  	[dreg:$0x1] =	wrdreg $0xFFFFFFFF  }
0xc6: {  	_ =	task.clear_ibuf [dreg:s9], $0x2FFFF;
	_ =	strace $0x9FFFFFFF  }
0xc7: {  	(tm) =	ssettm $0x7FFFFFFF  }
tec
execute0_lowered:
.L_overlay_start_1:
0x0: {  	(tag) =	ssettag $0x1  }
0x1: {  	s1 =	rddreg [dreg:$0x0]  }
0x2: {  	s0 =	rddreg [dreg:$0x1]  }
0x3: {  	s2 =	rddreg [dreg:$0x2]  }
0x4: {  	s14 =	rddreg [dreg:$0x3]  }
0x5: {  	s4 =	rddreg [dreg:$0x4]  }
0x6: {  	s3 =	srdreg.scid;
	s6 =	simm.s32 $0x0;
	s12 =	stileid.u32  }
0x7: {  	s28 =	simm.s32 $0x28;
	s16 =	simm.s32 $0x5;
	s17 =	simm.s32 $0x7  }
0x8: {  	s30 =	simm.s32 $0xB;
	s3 =	sand.u32 $0x1, s3;
	[smem:$0x7FF] =	sst s6  }
0x9: {  	s9 =	smul.u32 $0x14000, s12;
	s7 =	sadd.s32 $0x2200, s0;
	s8 =	sadd.s32 $0x4E4200, s0  }
0xa: {  	s10 =	sadd.s32 $0x29400, s0;
	s11 =	smul.u32 $0x50000, s12;
	s23 =	sshll.u32 s12, $0x6  }
0xb: {  	s5 =	smul.u32 $0x140000, s3;
	_ =	strace $0x80000047;
	[dreg:$0x6] =	wrdreg s10  }
0xc: {  	s19 =	sshll.u32 s3, $0x4;
	s3 =	ssub.s32 $0x2, s3;
	s15 =	sor.u32 $0x1C0D, s23  }
0xd: {  	s23 =	simm.s32 $0x0;
	s20 =	sor.u32 s12, s19;
	s21 =	sshrl.u32 s3, $0x1  }
0xe: {  	s11 =	sshrl.u32 s11, $0x2;
	s19 =	simm.s32 $0x200;
	[dreg:$0x7] =	wrdreg s15  }
0xf: {  	s5 =	sadd.s32 s9, s5;
	s10 =	smul.u32 $0x2710, s20;
	s3 =	ssub.s32 s3, s21  }
0x10: {  	s22 =	sadd.s32 s11, s4;
	s9 =	simm.s32 $0x6;
	s5 =	sshrl.u32 s5, $0x3  }
0x11: {  	s31 =	smax.u32 s3, $0x1;
	s21 =	sshrl.u32 s22, $0x3;
	s22 =	simm.s32 $0xD  }
0x12: {  	s0 =	sadd.s32 s5, s0;
	s24 =	sshrl.u32 s10, $0x3;
	s12 =	sadd.s32 $0x28, s10  }
0x13: {  	s5 =	smul.u32 $0x27100, s20;
	s18 =	sadd.s32 $0x50, s10;
	[dreg:$0xe] =	wrdreg s31  }
0x14: {  	s20 =	simm.s32 $0x3;
	[dreg:$0xf] =	wrdreg s21;
	s13 =	sadd.s32 s2, s24  }
0x15: {  	s25 =	sshrl.u32 s12, $0x3;
	s11 =	sadd.s32 s14, s24;
	[dreg:$0x8] =	wrdreg s13  }
0x16: {  	s0 =	sadd.s32 $0x2BC00, s0;
	s24 =	simm.s32 $0x100;
	[dreg:$0x9] =	wrdreg s11  }
.Ltmp0:
0x17: {  	s26 =	sadd.s32 s2, s25;
	s29 =	sadd.s32 s14, s25;
	(pc) =	sbr.rel .LBB2_1-.Ltmp0, $4  }
0x18: {  	s5 =	sadd.s32 s8, s5;
	[dreg:$0xd] =	wrdreg s0;
	s25 =	simm.s32 $0x180  }
0x19: {  	s0 =	simm.s32 $0x280;
	s13 =	simm.s32 $0x8;
	[dreg:$0xa] =	wrdreg s26  }
0x1a: {  	s14 =	simm.s32 $0xC;
	s11 =	simm.s32 $0x2;
	[dreg:$0xb] =	wrdreg s29  }
0x1b: {  	[dreg:$0xc] =	wrdreg s5;
	s26 =	simm.s32 $0x1;
	s5 =	simm.s32 $0x4  }
.LBB2_14:
0x1c: {  	s3 =	simm.s32 $0x9  }
0x1d: {  	_ =	swait.ge [sflag:s3], $0x1400  }
0x1e: {  	[sflag:s3] =	ssyncset.done $0x0  }
0x1f: {  	s23 =	simm.s32 $0xA;
	[sflag:s3] =	ssyncadd.s32 $0xFFFFEC00  }
0x20: {  	_ =	swait.ge [sflag:s23], $0x1400  }
0x21: {  	[sflag:s23] =	ssyncset.done $0x0  }
0x22: {  	[sflag:s23] =	ssyncadd.s32 $0xFFFFEC00  }
0x23: {  	[bflag:$0x0] =	sbarrier.arrive $0xFFFF  }
0x24: {  	s15 =	rddreg [dreg:$0x7]  }
0x25: {  	s29 =	rddreg [dreg:$0xd]  }
0x26: {  	s22 =	simm.s32 $0xD;
	s21 =	rddreg [dreg:$0xf]  }
0x27: {  	[hbm:s29], [sflag:s15] =	dma.local [spmem:s21], $0x2800  }
0x28: {  	_ =	swait.ge [sflag:s22], $0x2800  }
0x29: {  	s23 =	rddreg [dreg:$0x10]  }
0x2a: {  	s31 =	rddreg [dreg:$0xe];
	s23 =	sadd.s32 $0x1, s23  }
0x2b: {  	p0 =	sne.s32 s23, s31  }
.Ltmp1:
0x2c: {  	_ = 	snop;
	(pc) =	sbr.rel @!p0 .LBB2_15-.Ltmp1, $3  }
0x2d: {  	_ =	sdelay $0x1  }
0x2e: {  	[sflag:s22] =	ssyncset.done $0x0  }
0x2f: {  	[sflag:s22] =	ssyncadd.s32 $0xFFFFD800  }
.LBB2_1:
0x30: {  	[dreg:$0x10] =	wrdreg s23  }
0x31: {  	s3 =	rddreg [dreg:$0x6]  }
0x32: {  	[spmem:s21], [sflag:s15] =	dma.local [hbm:s3], $0x2800  }
0x33: {  	_ =	swait.ge [sflag:s22], $0x2800  }
0x34: {  	[sflag:s22] =	ssyncset.done $0x0  }
0x35: {  	[sflag:s22] =	ssyncadd.s32 $0xFFFFD800  }
0x36: {  	[bflag:$0x0] =	sbarrier.arrive $0xFFFF  }
0x37: {  	s22 =	rddreg [dreg:$0x8]  }
0x38: {  	[tilespmem:s6], [sflag:$0x1] =	stream.linear.gather [hbm4b:s22+s6], $0x28, $0x38;
	[tilespmem:$0x1E300] =	vst v63  }
0x39: {  	s29 =	simm.s32 $0x80;
	s23 =	rddreg [dreg:$0x9]  }
0x3a: {  	[tilespmem:s29], [sflag:$0x1] =	stream.linear.gather [hbm4b:s23+s6], $0x28, $0x38;
	[tilespmem:$0x1E300] =	vst v63  }
0x3b: {  	s31 =	rddreg [dreg:$0xa]  }
0x3c: {  	[tilespmem:s24], [sflag:$0x2] =	stream.linear.gather [hbm4b:s31+s6], $0x28, $0x38;
	[tilespmem:$0x1E300] =	vst v63  }
0x3d: {  	s21 =	rddreg [dreg:$0xb]  }
0x3e: {  	[tilespmem:s25], [sflag:$0x2] =	stream.linear.gather [hbm4b:s21+s6], $0x28, $0x38;
	[tilespmem:$0x1E300] =	vst v63  }
0x3f: {  	_ =	swait.ge [sflag:s26], $0x28  }
0x40: {  	[sflag:s26] =	ssyncset.done $0x0  }
0x41: {  	[sflag:s26] =	ssyncadd.s32 $0xFFFFFFD8  }
0x42: {  	_ =	swait.ge [sflag:s26], $0x28  }
0x43: {  	[sflag:s26] =	ssyncset.done $0x0  }
0x44: {  	s22 =	simm.s32 $0x300;
	[sflag:s26] =	ssyncadd.s32 $0xFFFFFFD8  }
0x45: {  	[tilespmem:s22], [sflag:$0x3] =	stream.indirect.gather [hbm4b:s1+s28], $0x80, s6, s28, $0xb8;
	[tilespmem:$0x1E300] =	vst v63  }
.Ltmp2:
0x46: {  	_ = 	snop;
	(pc) =	sbr.rel .LBB2_2-.Ltmp2, $4  }
0x47: {  	s23 =	simm.s32 $0x2B00  }
0x48: {  	[tilespmem:s23], [sflag:$0x5] =	stream.indirect.gather [hbm4b:s7+s28], $0x80, s29, s28, $0xb8;
	[tilespmem:$0x1E300] =	vst v63  }
0x49: {  	s31 =	simm.s32 $0x5300;
	s29 =	rddreg [dreg:$0xc];
	s23 =	simm.s32 $0x0  }
0x4a: {  	[tilespmem:s31], [sflag:$0x7] =	stream.linear.gather [hbm4b:s29+s6], $0x1400, $0x38;
	[tilespmem:$0x1E300] =	vst v63  }
.LBB2_5:
0x4b: {  	(erf) = vpow2.f32 v16;
	_ =	sdelay $0x2  }
0x4c: {  	v46 =	vpop (erf)  }
0x4d: {  	v17 =	vpop (erf)  }
0x4e: {  	v18 =	vpop (erf)  }
0x4f: {  	v19 =	vpop (erf)  }
0x50: {  	v16 =	vadd.f32 $1.000000000e+00, v46;
	v20 =	vpop (erf)  }
0x51: {  	v20 =	vadd.f32 $1.000000000e+00, v20;
	v47 =	vpop (erf)  }
0x52: {  	(erf) = vrcp.f32 v16;
	v16 =	vadd.f32 $1.000000000e+00, v47;
	v48 =	vpop (erf)  }
0x53: {  	(erf) = vrcp.f32 v20;
	v20 =	vadd.f32 $1.000000000e+00, v48  }
0x54: {  	(erf) = vrcp.f32 v16  }
0x55: {  	(erf) = vrcp.f32 v20  }
0x56: {  	v4 =	vand.u32 $0xFFFF0000, v4;
	v6 =	vand.u32 $0xFFFF0000, v6;
	v49 =	vadd.f32 v13, v12  }
0x57: {  	v50 =	vadd.f32 v15, v14;
	v4 =	vadd.f32 v6, v4  }
0x58: {  	v5 =	vand.u32 $0xFFFF0000, v5;
	v8 =	vand.u32 $0xFFFF0000, v8;
	v0 =	vmul.f32 v7, v0  }
0x59: {  	v51 =	vand.u32 $0xFFFF0000, v10;
	v3 =	vmul.f32 v17, v3;
	v4 =	vadd.f32 v5, v4  }
0x5a: {  	v54 =	vand.u32 $0xFFFF0000, v9;
	v8 =	vadd.f32 v8, v11;
	[tilespmem:s29+$0x0] =	vst v0;
	v2 =	vmul.f32 v18, v2  }
0x5b: {  	v5 =	vadd.f32 v51, v49;
	[tilespmem:s22+$0xFFFFFFE0] =	vst v3;
	v1 =	vmul.f32 v19, v1;
	v52 =	vmax.f32 v4, $0.0e+00;
	v53 =	vpop (erf)  }
0x5c: {  	v58 =	vadd.f32 v54, v50;
	v55 =	vmax.f32 v8, $0.0e+00;
	[tilespmem:s22+$0xFFFFFFF0] =	vst v2;
	v56 =	vmul.f32 v53, v52;
	v57 =	vpop (erf)  }
0x5d: {  	s3 =	sadd.s32 $0x40, s22;
	v60 =	vmax.f32 v5, $0.0e+00;
	[tilespmem:s22+$0x0] =	vst v1;
	v59 =	vmul.f32 v57, v55;
	v61 =	vpop (erf)  }
0x5e: {  	v4 =	vmax.f32 v58, $0.0e+00;
	[tilespmem:s3+$0x10] =	vst v56;
	v0 =	vmul.f32 v61, v60;
	v62 =	vpop (erf)  }
0x5f: {  	[tilespmem:s3+$0xFFFFFFE0] =	vst v59;
	v63 =	vmul.f32 v62, v4  }
0x60: {  	[tilespmem:s3+$0xFFFFFFF0] =	vst v0  }
0x61: {  	[tilespmem:s3+$0x0] =	vst v63  }
0x62: {  	_ =	swait.ge [sflag:s30], $0x28  }
0x63: {  	[sflag:s30] =	ssyncset.done $0x0  }
0x64: {  	s31 =	simm.s32 $0x7B00;
	[sflag:s30] =	ssyncadd.s32 $0xFFFFFFD8  }
0x65: {  	[spmem:s4] =	stream.indirect.scatter.add.f32 [tilespmem:s31], [sflag:$0x9], $0x80, s19, s28, $0xb8;
	[tilespmem:$0x1E300] =	vst v63  }
.LBB2_13:
0x66: {  	s23 =	sadd.s32 $0x1, s23  }
0x67: {  	p0 =	sne.s32 s23, $0xFA  }
.Ltmp3:
0x68: {  	_ = 	snop;
	(pc) =	sbr.rel @!p0 .LBB2_14-.Ltmp3, $1  }
0x69: {  	_ =	sdelay $0x3  }
.LBB2_2:
0x6a: {  	s3 =	sand.u32 $0x1, s23  }
0x6b: {  	p1 =	seq.s32 s3, $0x1  }
.Ltmp4:
0x6c: {  	_ = 	snop;
	(pc) =	sbr.rel @!p1 .LBB2_3-.Ltmp4, $2  }
0x6d: {  	_ =	sdelay $0x2  }
0x6e: {  	p0 =	slt.u32 s23, $0x2;
	s3 =	smul.u32 $0x28, s23  }
0x6f: {  	s15 =	simm.s32 @!p0 $0xA  }
0x70: {  	_ =	swait.ge @!p0 [sflag:s15], $0x1400;
	s21 =	sadd.s32 s10, s3  }
0x71: {  	[sflag:s15] =	ssyncset.done @!p0 $0x0;
	s21 =	sshrl.u32 s21, $0x3  }
0x72: {  	[sflag:s15] =	ssyncadd.s32 @!p0 $0xFFFFEC00;
	s31 =	sadd.s32 s2, s21  }
0x73: {  	[tilespmem:s0], [sflag:$0xC] =	stream.linear.gather [hbm4b:s31+s6], $0x28, $0x38;
	[tilespmem:$0x1E300] =	vst v63  }
0x74: {  	_ =	swait.ge [sflag:s5], $0x1400  }
0x75: {  	[sflag:s5] =	ssyncset.done $0x0  }
0x76: {  	[sflag:s5] =	ssyncadd.s32 $0xFFFFEC00  }
0x77: {  	p0 =	sgt.u32 s23, $0xF7;
	_ =	swait.ge [sflag:s9], $0x1400  }
.Ltmp5:
0x78: {  	[sflag:s9] =	ssyncset.done $0x0;
	(pc) =	sbr.rel @p0 .LBB2_8-.Ltmp5, $4  }
0x79: {  	[sflag:s9] =	ssyncadd.s32 $0xFFFFEC00  }
0x7a: {  	_ =	swait.ge [sflag:s13], $0x1400  }
0x7b: {  	[sflag:s13] =	ssyncset.done $0x0  }
0x7c: {  	[sflag:s13] =	ssyncadd.s32 $0xFFFFEC00  }
0x7d: {  	s15 =	sadd.s32 s3, s18  }
.Ltmp6:
0x7e: {  	s15 =	sshrl.u32 s15, $0x3;
	(pc) =	sbr.rel .LBB2_9-.Ltmp6, $4  }
0x7f: {  	s31 =	rddreg [dreg:$0x3];
	s21 =	sadd.s32 s2, s15  }
0x80: {  	[tilespmem:s24], [sflag:$0x2] =	stream.linear.gather [hbm4b:s21+s6], $0x28, $0x38;
	[tilespmem:$0x1E300] =	vst v63  }
0x81: {  	s15 =	sadd.s32 s31, s15  }
0x82: {  	[tilespmem:s25], [sflag:$0x2] =	stream.linear.gather [hbm4b:s15+s6], $0x28, $0x38;
	[tilespmem:$0x1E300] =	vst v63  }
.LBB2_3:
0x83: {  	s15 =	simm.s32 @!p0 $0x9  }
0x84: {  	_ =	swait.ge @!p0 [sflag:s15], $0x1400;
	s21 =	sadd.s32 s10, s3  }
0x85: {  	[sflag:s15] =	ssyncset.done @!p0 $0x0;
	s21 =	sshrl.u32 s21, $0x3  }
0x86: {  	[sflag:s15] =	ssyncadd.s32 @!p0 $0xFFFFEC00;
	s22 =	sadd.s32 s2, s21  }
0x87: {  	[tilespmem:s19], [sflag:$0xB] =	stream.linear.gather [hbm4b:s22+s6], $0x28, $0x38;
	[tilespmem:$0x1E300] =	vst v63  }
0x88: {  	_ =	swait.ge [sflag:s20], $0x1400  }
0x89: {  	[sflag:s20] =	ssyncset.done $0x0  }
0x8a: {  	[sflag:s20] =	ssyncadd.s32 $0xFFFFEC00  }
0x8b: {  	_ =	swait.ge [sflag:s16], $0x1400  }
0x8c: {  	[sflag:s16] =	ssyncset.done $0x0  }
0x8d: {  	p0 =	sgt.u32 s23, $0xF7;
	[sflag:s16] =	ssyncadd.s32 $0xFFFFEC00  }
0x8e: {  	s15 =	sadd.s32 @!p0 s3, s18;
	_ =	swait.ge [sflag:s17], $0x1400  }
0x8f: {  	s15 =	sshrl.u32 @!p0 s15, $0x3;
	[sflag:s17] =	ssyncset.done $0x0  }
0x90: {  	s22 =	simm.s32 @!p0 $0x0;
	s21 =	sadd.s32 @!p0 s2, s15;
	[sflag:s17] =	ssyncadd.s32 $0xFFFFEC00  }
0x91: {  	[tilespmem:s22], [sflag:$0x1] =	stream.linear.gather @!p0 [hbm4b:s21+s22], $0x28, $0x38;
	[tilespmem:$0x1E300] =	vst v63  }
0x92: {  	s21 =	rddreg [dreg:$0x3]  }
0x93: {  	s15 =	sadd.s32 @!p0 s21, s15;
	s21 =	simm.s32 @!p0 $0x80  }
0x94: {  	[tilespmem:s21], [sflag:$0x1] =	stream.linear.gather @!p0 [hbm4b:s15+s22], $0x28, $0x38;
	[tilespmem:$0x1E300] =	vst v63  }
0x95: {  	_ =	swait.ge [sflag:s11], $0x28  }
0x96: {  	[sflag:s11] =	ssyncset.done $0x0  }
0x97: {  	[sflag:s11] =	ssyncadd.s32 $0xFFFFFFD8  }
0x98: {  	_ =	swait.ge [sflag:s11], $0x28  }
0x99: {  	[sflag:s11] =	ssyncset.done $0x0  }
0x9a: {  	s21 =	simm.s32 $0x1700;
	[sflag:s11] =	ssyncadd.s32 $0xFFFFFFD8  }
0x9b: {  	[tilespmem:s21], [sflag:$0x4] =	stream.indirect.gather [hbm4b:s1+s28], $0x80, s24, s28, $0xb8;
	[tilespmem:$0x1E300] =	vst v63  }
0x9c: {  	s21 =	sadd.s32 s3, s12  }
0x9d: {  	s22 =	simm.s32 $0x3F00;
	s3 =	sshll.u32 s21, $0x4  }
0x9e: {  	[tilespmem:s22], [sflag:$0x6] =	stream.indirect.gather [hbm4b:s7+s28], $0x80, s25, s28, $0xb8;
	[tilespmem:$0x1E300] =	vst v63  }
0x9f: {  	s3 =	sadd.s32 s8, s3;
	s22 =	simm.s32 $0x6700  }
0xa0: {  	[tilespmem:s22], [sflag:$0x8] =	stream.linear.gather [hbm4b:s3+s6], $0x1400, $0x38;
	[tilespmem:$0x1E300] =	vst v63  }
0xa1: {  	s3 =	simm.s32 $0x320  }
0xa2: {  	s21 =	simm.s32 $0x2B20;
	v0 =	vld [tilespmem:s3+$0x10]  }
0xa3: {  	v1 =	vld [tilespmem:s21+$0x10]  }
0xa4: {  	s22 =	simm.s32 $0x5320  }
0xa5: {  	v2 =	vld [tilespmem:s22+$0x10];
	_ =	sdelay $0x2  }
0xa6: {  	v3 =	vld [tilespmem:s21+$0xFFFFFFE0];
	v5 =	vshll.u32 v0, $0x10;
	v6 =	vshll.u32 v1, $0x10  }
0xa7: {  	v7 =	vld [tilespmem:s21+$0xFFFFFFF0];
	v5 =	vadd.f32 v6, v5  }
0xa8: {  	v9 =	vld [tilespmem:s21+$0x0];
	v8 =	vshll.u32 v2, $0x10  }
0xa9: {  	v4 =	vld [tilespmem:s3+$0xFFFFFFF0];
	v5 =	vadd.f32 v8, v5  }
0xaa: {  	v8 =	vld [tilespmem:s3+$0xFFFFFFE0]  }
0xab: {  	v6 =	vld [tilespmem:s3+$0x0];
	v5 =	vmul.f32 $1.442695020e+00, v5  }
0xac: {  	v10 =	vld [tilespmem:s22+$0xFFFFFFE0];
	v13 =	vshll.u32 v7, $0x10;
	v14 =	vshll.u32 v3, $0x10  }
0xad: {  	v11 =	vld [tilespmem:s22+$0xFFFFFFF0];
	v16 =	vshll.u32 v9, $0x10;
	v3 =	vand.u32 $0xFFFF0000, v3;
	(erf) = vpow2.f32 v5  }
0xae: {  	v12 =	vld [tilespmem:s22+$0x0];
	v7 =	vand.u32 $0xFFFF0000, v7;
	v9 =	vand.u32 $0xFFFF0000, v9;
	v5 =	vshll.u32 v4, $0x10  }
0xaf: {  	v1 =	vand.u32 $0xFFFF0000, v1;
	v5 =	vadd.f32 v13, v5;
	v13 =	vshll.u32 v8, $0x10  }
0xb0: {  	v2 =	vand.u32 $0xFFFF0000, v2;
	v15 =	vshll.u32 v6, $0x10;
	v13 =	vadd.f32 v14, v13  }
0xb1: {  	v6 =	vand.u32 $0xFFFF0000, v6;
	v15 =	vadd.f32 v16, v15;
	v14 =	vshll.u32 v10, $0x10  }
0xb2: {  	s15 =	simm.s32 $0x2BA0;
	v16 =	vshll.u32 v11, $0x10;
	v4 =	vand.u32 $0xFFFF0000, v4;
	v13 =	vadd.f32 v14, v13  }
0xb3: {  	s21 =	simm.s32 $0x2B60;
	v53 =	vld [tilespmem:s15+$0x0];
	v8 =	vand.u32 $0xFFFF0000, v8;
	v5 =	vadd.f32 v16, v5;
	v14 =	vshll.u32 v12, $0x10  }
0xb4: {  	s3 =	simm.s32 $0x360;
	v6 =	vadd.f32 v9, v6;
	v16 =	vld [tilespmem:s21+$0x10];
	v14 =	vadd.f32 v14, v15;
	v13 =	vmul.f32 $1.442695020e+00, v13  }
0xb5: {  	s22 =	simm.s32 $0x5360;
	v9 =	vand.u32 $0xFFFF0000, v11;
	v4 =	vadd.f32 v7, v4;
	v5 =	vmul.f32 $1.442695020e+00, v5;
	v15 =	vld [tilespmem:s3+$0x10]  }
0xb6: {  	v20 =	vld [tilespmem:s22+$0xFFFFFFF0];
	v3 =	vadd.f32 v3, v8;
	v14 =	vmul.f32 $1.442695020e+00, v14;
	(erf) = vpow2.f32 v13;
	v8 =	vpop (erf)  }
0xb7: {  	v7 =	vand.u32 $0xFFFF0000, v10;
	(erf) = vpow2.f32 v5;
	v5 =	vadd.f32 $1.000000000e+00, v8;
	v8 =	vld [tilespmem:s22+$0x10]  }
0xb8: {  	v10 =	vld [tilespmem:s21+$0xFFFFFFE0];
	v4 =	vadd.f32 v9, v4;
	v9 =	vand.u32 $0xFFFF0000, v12;
	(erf) = vpow2.f32 v14  }
0xb9: {  	v3 =	vadd.f32 v7, v3;
	v12 =	vld [tilespmem:s21+$0xFFFFFFF0];
	v6 =	vadd.f32 v9, v6;
	(erf) = vrcp.f32 v5  }
0xba: {  	v11 =	vshll.u32 v16, $0x10;
	v13 =	vld [tilespmem:s21+$0x0];
	v7 =	vshll.u32 v15, $0x10;
	v14 =	vand.u32 $0xFFFF0000, v0  }
0xbb: {  	v58 =	vshll.u32 v53, $0x10;
	v7 =	vadd.f32 v11, v7;
	v1 =	vadd.f32 v1, v14;
	v5 =	vld [tilespmem:s3+$0xFFFFFFF0]  }
0xbc: {  	v50 =	vshll.u32 v20, $0x10;
	v9 =	vld [tilespmem:s3+$0x0];
	v3 =	vmax.f32 v3, $0.0e+00;
	v11 =	vshll.u32 v8, $0x10  }
0xbd: {  	v1 =	vadd.f32 v2, v1;
	v7 =	vadd.f32 v11, v7;
	v11 =	vmax.f32 v4, $0.0e+00;
	v4 =	vld [tilespmem:s3+$0xFFFFFFE0]  }
0xbe: {  	v16 =	vand.u32 $0xFFFF0000, v16;
	v21 =	vshll.u32 v12, $0x10;
	v0 =	vmax.f32 v6, $0.0e+00  }
0xbf: {  	v17 =	vld [tilespmem:s22+$0xFFFFFFE0];
	v14 =	vshll.u32 v10, $0x10;
	v22 =	vshll.u32 v13, $0x10;
	v1 =	vmax.f32 v1, $0.0e+00;
	v6 =	vpop (erf)  }
0xc0: {  	v19 =	vshll.u32 v5, $0x10;
	v7 =	vmul.f32 $1.442695020e+00, v7;
	v18 =	vpop (erf);
	v6 =	vadd.f32 $1.000000000e+00, v6  }
0xc1: {  	v49 =	vld [tilespmem:s22+$0x0];
	v5 =	vand.u32 $0xFFFF0000, v5;
	v19 =	vadd.f32 v21, v19;
	v2 =	vpop (erf);
	v18 =	vadd.f32 $1.000000000e+00, v18  }
0xc2: {  	(erf) = vpow2.f32 v7;
	v7 =	vshll.u32 v9, $0x10;
	v23 =	vpop (erf);
	v24 =	vshll.u32 v4, $0x10  }
0xc3: {  	(erf) = vrcp.f32 v6;
	v23 =	vmul.f32 v23, v1;
	v1 =	vadd.f32 v14, v24  }
0xc4: {  	v2 =	vadd.f32 $1.000000000e+00, v2;
	v7 =	vadd.f32 v22, v7;
	v14 =	vshll.u32 v17, $0x10  }
0xc5: {  	v9 =	vand.u32 $0xFFFF0000, v9;
	v6 =	vadd.f32 v50, v19;
	v1 =	vadd.f32 v14, v1  }
0xc6: {  	v19 =	vand.u32 $0xFFFF0000, v4;
	(erf) = vrcp.f32 v18;
	v14 =	vshll.u32 v49, $0x10  }
0xc7: {  	s22 =	simm.s32 $0x3A0;
	v6 =	vmul.f32 $1.442695020e+00, v6;
	v4 =	vadd.f32 v14, v7;
	v1 =	vmul.f32 $1.442695020e+00, v1  }
0xc8: {  	v18 =	vld [tilespmem:s22+$0x0];
	(erf) = vrcp.f32 v2;
	v2 =	vand.u32 $0xFFFF0000, v12;
	v12 =	vand.u32 $0xFFFF0000, v13  }
0xc9: {  	v7 =	vand.u32 $0xFFFF0000, v10;
	v10 =	vmul.f32 $1.442695020e+00, v4;
	v4 =	vld [tilespmem:s22+$0x10];
	(erf) = vpow2.f32 v1  }
0xca: {  	s21 =	simm.s32 $0x53A0;
	v2 =	vadd.f32 v2, v5;
	v7 =	vadd.f32 v7, v19;
	(erf) = vpow2.f32 v6;
	v6 =	vld [tilespmem:s15+$0x10]  }
0xcb: {  	v9 =	vadd.f32 v12, v9;
	v5 =	vld [tilespmem:s21+$0x10];
	v1 =	vpop (erf);
	(erf) = vpow2.f32 v10;
	v10 =	vand.u32 $0xFFFF0000, v17  }
0xcc: {  	v15 =	vand.u32 $0xFFFF0000, v15;
	v12 =	vld [tilespmem:s15+$0xFFFFFFE0];
	v1 =	vadd.f32 $1.000000000e+00, v1;
	v7 =	vadd.f32 v10, v7;
	v13 =	vpop (erf)  }
0xcd: {  	v15 =	vadd.f32 v16, v15;
	v14 =	vld [tilespmem:s22+$0xFFFFFFF0];
	v10 =	vand.u32 $0xFFFF0000, v49;
	v13 =	vmul.f32 v13, v3  }
0xce: {  	v51 =	vld [tilespmem:s22+$0xFFFFFFE0];
	(erf) = vrcp.f32 v1;
	v1 =	vand.u32 $0xFFFF0000, v20;
	v3 =	vmax.f32 v7, $0.0e+00  }
0xcf: {  	v1 =	vadd.f32 v1, v2;
	v2 =	vshll.u32 v4, $0x10;
	v7 =	vshll.u32 v6, $0x10  }
0xd0: {  	v57 =	vshll.u32 v18, $0x10;
	v17 =	vld [tilespmem:s15+$0xFFFFFFF0];
	v9 =	vadd.f32 v10, v9;
	v19 =	vadd.f32 v7, v2  }
0xd1: {  	v21 =	vadd.f32 v58, v57;
	v52 =	vshll.u32 v5, $0x10;
	v54 =	vshll.u32 v12, $0x10  }
0xd2: {  	v62 =	vand.u32 $0xFFFF0000, v12;
	v12 =	vand.u32 $0xFFFF0000, v14;
	v10 =	vpop (erf);
	v16 =	vadd.f32 v52, v19  }
0xd3: {  	v20 =	vand.u32 $0xFFFF0000, v51;
	v11 =	vmul.f32 v10, v11;
	v7 =	vpop (erf);
	v19 =	vand.u32 $0xFFFF0000, v8;
	v8 =	vld [tilespmem:s21+$0xFFFFFFE0]  }
0xd4: {  	v10 =	vld [tilespmem:s21+$0xFFFFFFF0];
	v2 =	vmax.f32 v1, $0.0e+00;
	v1 =	vmax.f32 v9, $0.0e+00;
	v9 =	vpop (erf);
	v16 =	vmul.f32 $1.442695020e+00, v16  }
0xd5: {  	v26 =	vshll.u32 v17, $0x10;
	v15 =	vadd.f32 v19, v15;
	v27 =	vadd.f32 $1.000000000e+00, v9;
	v9 =	vld [tilespmem:s21+$0x0]  }
0xd6: {  	v19 =	vshll.u32 v14, $0x10;
	v55 =	vpop (erf);
	(erf) = vpow2.f32 v16;
	v16 =	vshll.u32 v51, $0x10  }
0xd7: {  	v19 =	vadd.f32 v26, v19;
	v15 =	vmax.f32 v15, $0.0e+00;
	v16 =	vadd.f32 v54, v16  }
0xd8: {  	v25 =	vpop (erf);
	v24 =	vadd.f32 $1.000000000e+00, v55;
	v59 =	vshll.u32 v8, $0x10;
	(erf) = vrcp.f32 v27  }
0xd9: {  	v60 =	vshll.u32 v10, $0x10;
	v25 =	vadd.f32 $1.000000000e+00, v25;
	v16 =	vadd.f32 v59, v16  }
0xda: {  	s29 =	simm.s32 $0x7B20;
	v19 =	vadd.f32 v60, v19;
	v56 =	vpop (erf);
	(erf) = vrcp.f32 v24;
	v61 =	vshll.u32 v9, $0x10  }
0xdb: {  	[tilespmem:s29+$0x10] =	vst v23;
	v15 =	vmul.f32 v56, v15;
	v21 =	vadd.f32 v61, v21;
	v63 =	vmul.f32 $1.442695020e+00, v16  }
0xdc: {  	[tilespmem:s29+$0xFFFFFFE0] =	vst v13;
	v13 =	vand.u32 $0xFFFF0000, v17;
	v19 =	vmul.f32 $1.442695020e+00, v19;
	(erf) = vrcp.f32 v25  }
0xdd: {  	s22 =	simm.s32 $0x7B60;
	[tilespmem:s29+$0xFFFFFFF0] =	vst v11;
	v11 =	vadd.f32 v62, v20;
	v16 =	vmul.f32 $1.442695020e+00, v21;
	(erf) = vpow2.f32 v63  }
0xde: {  	s31 =	simm.s32 $0x8;
	s3 =	simm.s32 $0x3E0;
	v14 =	vand.u32 $0xFFFF0000, v18;
	[tilespmem:s22+$0x10] =	vst v15;
	v15 =	vand.u32 $0xFFFF0000, v53;
	(erf) = vpow2.f32 v19  }
.LBB2_4:
0xdf: {  	v17 =	vld [tilespmem:s3+$0x10];
	v12 =	vadd.f32 v13, v12;
	v13 =	vadd.f32 v15, v14;
	s15 =	sadd.s32 $0x40, s15;
	(erf) = vpow2.f32 v16;
	v14 =	vpop (erf)  }
0xe0: {  	s31 =	sadd.s32 $0x4, s31;
	v8 =	vand.u32 $0xFFFF0000, v8;
	v10 =	vand.u32 $0xFFFF0000, v10;
	v15 =	vld [tilespmem:s15+$0x10];
	v14 =	vadd.f32 $1.000000000e+00, v14  }
0xe1: {  	v9 =	vand.u32 $0xFFFF0000, v9;
	s21 =	sadd.s32 $0x40, s21;
	p0 =	slt.u32 s31, $0x13C;
	v8 =	vadd.f32 v8, v11;
	v16 =	vld [tilespmem:s15+$0xFFFFFFE0];
	v18 =	vadd.f32 v10, v12;
	v11 =	vpop (erf)  }
0xe2: {  	v9 =	vadd.f32 v9, v13;
	v12 =	vld [tilespmem:s21+$0x10];
	(erf) = vrcp.f32 v14;
	v11 =	vmul.f32 v11, v3  }
0xe3: {  	v20 =	vmul.f32 v7, v0;
	v3 =	vmax.f32 v8, $0.0e+00;
	v13 =	vld [tilespmem:s3+$0xFFFFFFF0];
	v8 =	vmax.f32 v18, $0.0e+00;
	v10 =	vpop (erf)  }
0xe4: {  	v0 =	vmovc v1;
	v1 =	vmax.f32 v9, $0.0e+00;
	v18 =	vld [tilespmem:s15+$0xFFFFFFF0];
	[tilespmem:s22+$0xFFFFFFE0] =	vst v11;
	v10 =	vmul.f32 v10, v2;
	v2 =	vmov v8  }
0xe5: {  	v8 =	vshll.u32 v17, $0x10;
	v11 =	vld [tilespmem:s3+$0x0];
	v9 =	vshll.u32 v15, $0x10;
	v7 =	vpop (erf);
	[tilespmem:s29+$0x0] =	vst v20;
	s29 =	smov.u32 s22  }
0xe6: {  	v4 =	vand.u32 $0xFFFF0000, v4;
	v6 =	vand.u32 $0xFFFF0000, v6;
	v19 =	vld [tilespmem:s15+$0x0];
	v9 =	vadd.f32 v9, v8;
	v14 =	vpop (erf);
	[tilespmem:s22+$0xFFFFFFF0] =	vst v10  }
0xe7: {  	v26 =	vadd.f32 v6, v4;
	v21 =	vshll.u32 v16, $0x10;
	v20 =	vld [tilespmem:s3+$0xFFFFFFE0];
	v10 =	vshll.u32 v12, $0x10;
	v22 =	vpop (erf)  }
0xe8: {  	v27 =	vand.u32 $0xFFFF0000, v5;
	v8 =	vld [tilespmem:s21+$0xFFFFFFE0];
	v23 =	vshll.u32 v13, $0x10;
	v24 =	vadd.f32 v10, v9;
	v25 =	vpop (erf)  }
0xe9: {  	v27 =	vadd.f32 v27, v26;
	v4 =	vmovc v17;
	v6 =	vmovc v15;
	v14 =	vadd.f32 $1.000000000e+00, v14;
	v10 =	vld [tilespmem:s21+$0xFFFFFFF0];
	v9 =	vshll.u32 v18, $0x10  }
0xea: {  	v5 =	vmovc v12;
	v15 =	vadd.f32 v9, v23;
	v9 =	vld [tilespmem:s21+$0x0];
	v17 =	vshll.u32 v11, $0x10;
	v23 =	vmul.f32 $1.442695020e+00, v24  }
0xeb: {  	v22 =	vadd.f32 $1.000000000e+00, v22;
	v24 =	vmax.f32 v27, $0.0e+00;
	v12 =	vshll.u32 v19, $0x10;
	v26 =	vpop (erf)  }
0xec: {  	v27 =	vshll.u32 v20, $0x10;
	(erf) = vpow2.f32 v23;
	v23 =	vmul.f32 v26, v24  }
0xed: {  	s22 =	sadd.s32 $0x40, s22;
	v12 =	vadd.f32 v12, v17;
	v21 =	vadd.f32 v21, v27;
	v24 =	vshll.u32 v8, $0x10  }
0xee: {  	v25 =	vadd.f32 $1.000000000e+00, v25;
	v17 =	vshll.u32 v10, $0x10;
	[tilespmem:s22+$0x10] =	vst v23;
	(erf) = vrcp.f32 v14  }
0xef: {  	v14 =	vadd.f32 v24, v21;
	v15 =	vadd.f32 v17, v15;
	v17 =	vshll.u32 v9, $0x10  }
.Ltmp7:
0xf0: {  	v20 =	vand.u32 $0xFFFF0000, v20;
	v17 =	vadd.f32 v17, v12;
	(erf) = vrcp.f32 v22;
	(pc) =	sbr.rel @p0 .LBB2_4-.Ltmp7, $4  }
0xf1: {  	v21 =	vand.u32 $0xFFFF0000, v16;
	v22 =	vmul.f32 $1.442695020e+00, v14;
	v23 =	vmul.f32 $1.442695020e+00, v15  }
0xf2: {  	v12 =	vand.u32 $0xFFFF0000, v13;
	v16 =	vmul.f32 $1.442695020e+00, v17;
	(erf) = vrcp.f32 v25  }
0xf3: {  	v13 =	vand.u32 $0xFFFF0000, v18;
	v14 =	vand.u32 $0xFFFF0000, v11;
	(erf) = vpow2.f32 v22  }
0xf4: {  	s3 =	sadd.s32 $0x40, s3;
	v11 =	vadd.f32 v21, v20;
	v15 =	vand.u32 $0xFFFF0000, v19;
	(erf) = vpow2.f32 v23  }
.Ltmp8:
0xf5: {  	_ = 	snop;
	(pc) =	sbr.rel .LBB2_5-.Ltmp8, $1  }
0xf6: {  	_ =	sdelay $0x3  }
.LBB2_8:
0xf7: {  	p0 =	seq.s32 s23, $0xF9  }
.Ltmp9:
0xf8: {  	_ = 	snop;
	(pc) =	sbr.rel @p0 .LBB2_10-.Ltmp9, $1  }
0xf9: {  	_ =	sdelay $0x3  }
.LBB2_9:
0xfa: {  	_ =	swait.ge [sflag:s26], $0x28  }
0xfb: {  	[sflag:s26] =	ssyncset.done $0x0  }
0xfc: {  	[sflag:s26] =	ssyncadd.s32 $0xFFFFFFD8  }
0xfd: {  	_ =	swait.ge [sflag:s26], $0x28  }
0xfe: {  	[sflag:s26] =	ssyncset.done $0x0  }
0xff: {  	s15 =	simm.s32 $0x300;
	s3 =	sadd.s32 s3, s12;
	[sflag:s26] =	ssyncadd.s32 $0xFFFFFFD8  }
0x100: {  	[tilespmem:s15], [sflag:$0x3] =	stream.indirect.gather [hbm4b:s1+s28], $0x80, s6, s28, $0xb8;
	[tilespmem:$0x1E300] =	vst v63  }
0x101: {  	s29 =	simm.s32 $0x80;
	s21 =	simm.s32 $0x2B00;
	s3 =	sshll.u32 s3, $0x4  }
0x102: {  	[tilespmem:s21], [sflag:$0x5] =	stream.indirect.gather [hbm4b:s7+s28], $0x80, s29, s28, $0xb8;
	[tilespmem:$0x1E300] =	vst v63  }
0x103: {  	s31 =	simm.s32 $0x5300;
	s3 =	sadd.s32 s8, s3  }
0x104: {  	[tilespmem:s31], [sflag:$0x7] =	stream.linear.gather [hbm4b:s3+s6], $0x1400, $0x38;
	[tilespmem:$0x1E300] =	vst v63  }
.LBB2_10:
0x105: {  	s3 =	simm.s32 $0x1720  }
0x106: {  	s15 =	simm.s32 $0x3F20;
	v0 =	vld [tilespmem:s3+$0x10]  }
0x107: {  	v1 =	vld [tilespmem:s15+$0x10]  }
0x108: {  	s21 =	simm.s32 $0x6720  }
0x109: {  	v2 =	vld [tilespmem:s21+$0x10];
	_ =	sdelay $0x2  }
0x10a: {  	v3 =	vld [tilespmem:s15+$0xFFFFFFE0];
	v5 =	vshll.u32 v0, $0x10;
	v6 =	vshll.u32 v1, $0x10  }
0x10b: {  	v7 =	vld [tilespmem:s15+$0xFFFFFFF0];
	v5 =	vadd.f32 v6, v5  }
0x10c: {  	v9 =	vld [tilespmem:s15+$0x0];
	v8 =	vshll.u32 v2, $0x10  }
0x10d: {  	v4 =	vld [tilespmem:s3+$0xFFFFFFF0];
	v5 =	vadd.f32 v8, v5  }
0x10e: {  	v8 =	vld [tilespmem:s3+$0xFFFFFFE0]  }
0x10f: {  	v6 =	vld [tilespmem:s3+$0x0];
	v5 =	vmul.f32 $1.442695020e+00, v5  }
0x110: {  	v10 =	vld [tilespmem:s21+$0xFFFFFFE0];
	v13 =	vshll.u32 v7, $0x10;
	v14 =	vshll.u32 v3, $0x10  }
0x111: {  	v11 =	vld [tilespmem:s21+$0xFFFFFFF0];
	v16 =	vshll.u32 v9, $0x10;
	v3 =	vand.u32 $0xFFFF0000, v3;
	(erf) = vpow2.f32 v5  }
0x112: {  	v12 =	vld [tilespmem:s21+$0x0];
	v7 =	vand.u32 $0xFFFF0000, v7;
	v9 =	vand.u32 $0xFFFF0000, v9;
	v5 =	vshll.u32 v4, $0x10  }
0x113: {  	v1 =	vand.u32 $0xFFFF0000, v1;
	v5 =	vadd.f32 v13, v5;
	v13 =	vshll.u32 v8, $0x10  }
0x114: {  	v2 =	vand.u32 $0xFFFF0000, v2;
	v15 =	vshll.u32 v6, $0x10;
	v13 =	vadd.f32 v14, v13  }
0x115: {  	v6 =	vand.u32 $0xFFFF0000, v6;
	v15 =	vadd.f32 v16, v15;
	v14 =	vshll.u32 v10, $0x10  }
0x116: {  	s22 =	simm.s32 $0x6760;
	v16 =	vshll.u32 v11, $0x10;
	v4 =	vand.u32 $0xFFFF0000, v4;
	v13 =	vadd.f32 v14, v13  }
0x117: {  	s21 =	simm.s32 $0x3F60;
	v20 =	vld [tilespmem:s22+$0xFFFFFFF0];
	v8 =	vand.u32 $0xFFFF0000, v8;
	v5 =	vadd.f32 v16, v5;
	v14 =	vshll.u32 v12, $0x10  }
0x118: {  	s3 =	simm.s32 $0x1760;
	v6 =	vadd.f32 v9, v6;
	v16 =	vld [tilespmem:s21+$0x10];
	v14 =	vadd.f32 v14, v15;
	v13 =	vmul.f32 $1.442695020e+00, v13  }
0x119: {  	s15 =	simm.s32 $0x3FA0;
	v9 =	vand.u32 $0xFFFF0000, v11;
	v4 =	vadd.f32 v7, v4;
	v5 =	vmul.f32 $1.442695020e+00, v5;
	v15 =	vld [tilespmem:s3+$0x10]  }
0x11a: {  	v53 =	vld [tilespmem:s15+$0x0];
	v3 =	vadd.f32 v3, v8;
	v14 =	vmul.f32 $1.442695020e+00, v14;
	(erf) = vpow2.f32 v13;
	v8 =	vpop (erf)  }
0x11b: {  	v7 =	vand.u32 $0xFFFF0000, v10;
	(erf) = vpow2.f32 v5;
	v5 =	vadd.f32 $1.000000000e+00, v8;
	v8 =	vld [tilespmem:s22+$0x10]  }
0x11c: {  	v10 =	vld [tilespmem:s21+$0xFFFFFFE0];
	v4 =	vadd.f32 v9, v4;
	v9 =	vand.u32 $0xFFFF0000, v12;
	(erf) = vpow2.f32 v14  }
0x11d: {  	v3 =	vadd.f32 v7, v3;
	v12 =	vld [tilespmem:s21+$0xFFFFFFF0];
	v6 =	vadd.f32 v9, v6;
	(erf) = vrcp.f32 v5  }
0x11e: {  	v11 =	vshll.u32 v16, $0x10;
	v13 =	vld [tilespmem:s21+$0x0];
	v7 =	vshll.u32 v15, $0x10;
	v14 =	vand.u32 $0xFFFF0000, v0  }
0x11f: {  	v50 =	vshll.u32 v20, $0x10;
	v7 =	vadd.f32 v11, v7;
	v1 =	vadd.f32 v1, v14;
	v5 =	vld [tilespmem:s3+$0xFFFFFFF0]  }
0x120: {  	v58 =	vshll.u32 v53, $0x10;
	v9 =	vld [tilespmem:s3+$0x0];
	v3 =	vmax.f32 v3, $0.0e+00;
	v11 =	vshll.u32 v8, $0x10  }
0x121: {  	v1 =	vadd.f32 v2, v1;
	v7 =	vadd.f32 v11, v7;
	v11 =	vmax.f32 v4, $0.0e+00;
	v4 =	vld [tilespmem:s3+$0xFFFFFFE0]  }
0x122: {  	v16 =	vand.u32 $0xFFFF0000, v16;
	v21 =	vshll.u32 v12, $0x10;
	v0 =	vmax.f32 v6, $0.0e+00  }
0x123: {  	v17 =	vld [tilespmem:s22+$0xFFFFFFE0];
	v14 =	vshll.u32 v10, $0x10;
	v22 =	vshll.u32 v13, $0x10;
	v1 =	vmax.f32 v1, $0.0e+00;
	v6 =	vpop (erf)  }
0x124: {  	v19 =	vshll.u32 v5, $0x10;
	v7 =	vmul.f32 $1.442695020e+00, v7;
	v18 =	vpop (erf);
	v6 =	vadd.f32 $1.000000000e+00, v6  }
0x125: {  	v49 =	vld [tilespmem:s22+$0x0];
	v5 =	vand.u32 $0xFFFF0000, v5;
	v19 =	vadd.f32 v21, v19;
	v2 =	vpop (erf);
	v18 =	vadd.f32 $1.000000000e+00, v18  }
0x126: {  	(erf) = vpow2.f32 v7;
	v7 =	vshll.u32 v9, $0x10;
	v23 =	vpop (erf);
	v24 =	vshll.u32 v4, $0x10  }
0x127: {  	(erf) = vrcp.f32 v6;
	v23 =	vmul.f32 v23, v1;
	v1 =	vadd.f32 v14, v24  }
0x128: {  	v2 =	vadd.f32 $1.000000000e+00, v2;
	v7 =	vadd.f32 v22, v7;
	v14 =	vshll.u32 v17, $0x10  }
0x129: {  	v9 =	vand.u32 $0xFFFF0000, v9;
	v6 =	vadd.f32 v50, v19;
	v1 =	vadd.f32 v14, v1  }
0x12a: {  	v19 =	vand.u32 $0xFFFF0000, v4;
	(erf) = vrcp.f32 v18;
	v14 =	vshll.u32 v49, $0x10  }
0x12b: {  	s22 =	simm.s32 $0x17A0;
	v6 =	vmul.f32 $1.442695020e+00, v6;
	v4 =	vadd.f32 v14, v7;
	v1 =	vmul.f32 $1.442695020e+00, v1  }
0x12c: {  	v18 =	vld [tilespmem:s22+$0x0];
	(erf) = vrcp.f32 v2;
	v2 =	vand.u32 $0xFFFF0000, v12;
	v12 =	vand.u32 $0xFFFF0000, v13  }
0x12d: {  	v7 =	vand.u32 $0xFFFF0000, v10;
	v10 =	vmul.f32 $1.442695020e+00, v4;
	v4 =	vld [tilespmem:s22+$0x10];
	(erf) = vpow2.f32 v1  }
0x12e: {  	s21 =	simm.s32 $0x67A0;
	v2 =	vadd.f32 v2, v5;
	v7 =	vadd.f32 v7, v19;
	(erf) = vpow2.f32 v6;
	v6 =	vld [tilespmem:s15+$0x10]  }
0x12f: {  	v9 =	vadd.f32 v12, v9;
	v5 =	vld [tilespmem:s21+$0x10];
	v1 =	vpop (erf);
	(erf) = vpow2.f32 v10;
	v10 =	vand.u32 $0xFFFF0000, v17  }
0x130: {  	v15 =	vand.u32 $0xFFFF0000, v15;
	v12 =	vld [tilespmem:s15+$0xFFFFFFE0];
	v1 =	vadd.f32 $1.000000000e+00, v1;
	v7 =	vadd.f32 v10, v7;
	v13 =	vpop (erf)  }
0x131: {  	v15 =	vadd.f32 v16, v15;
	v14 =	vld [tilespmem:s22+$0xFFFFFFF0];
	v10 =	vand.u32 $0xFFFF0000, v49;
	v13 =	vmul.f32 v13, v3  }
0x132: {  	v51 =	vld [tilespmem:s22+$0xFFFFFFE0];
	(erf) = vrcp.f32 v1;
	v1 =	vand.u32 $0xFFFF0000, v20;
	v3 =	vmax.f32 v7, $0.0e+00  }
0x133: {  	v1 =	vadd.f32 v1, v2;
	v2 =	vshll.u32 v4, $0x10;
	v7 =	vshll.u32 v6, $0x10  }
0x134: {  	v57 =	vshll.u32 v18, $0x10;
	v17 =	vld [tilespmem:s15+$0xFFFFFFF0];
	v9 =	vadd.f32 v10, v9;
	v19 =	vadd.f32 v7, v2  }
0x135: {  	v21 =	vadd.f32 v58, v57;
	v52 =	vshll.u32 v5, $0x10;
	v54 =	vshll.u32 v12, $0x10  }
0x136: {  	v62 =	vand.u32 $0xFFFF0000, v12;
	v12 =	vand.u32 $0xFFFF0000, v14;
	v10 =	vpop (erf);
	v16 =	vadd.f32 v52, v19  }
0x137: {  	v20 =	vand.u32 $0xFFFF0000, v51;
	v11 =	vmul.f32 v10, v11;
	v7 =	vpop (erf);
	v19 =	vand.u32 $0xFFFF0000, v8;
	v8 =	vld [tilespmem:s21+$0xFFFFFFE0]  }
0x138: {  	v10 =	vld [tilespmem:s21+$0xFFFFFFF0];
	v2 =	vmax.f32 v1, $0.0e+00;
	v1 =	vmax.f32 v9, $0.0e+00;
	v9 =	vpop (erf);
	v16 =	vmul.f32 $1.442695020e+00, v16  }
0x139: {  	v26 =	vshll.u32 v17, $0x10;
	v15 =	vadd.f32 v19, v15;
	v27 =	vadd.f32 $1.000000000e+00, v9;
	v9 =	vld [tilespmem:s21+$0x0]  }
0x13a: {  	v19 =	vshll.u32 v14, $0x10;
	v55 =	vpop (erf);
	(erf) = vpow2.f32 v16;
	v16 =	vshll.u32 v51, $0x10  }
0x13b: {  	v19 =	vadd.f32 v26, v19;
	v15 =	vmax.f32 v15, $0.0e+00;
	v16 =	vadd.f32 v54, v16  }
0x13c: {  	v25 =	vpop (erf);
	v24 =	vadd.f32 $1.000000000e+00, v55;
	v59 =	vshll.u32 v8, $0x10;
	(erf) = vrcp.f32 v27  }
0x13d: {  	v60 =	vshll.u32 v10, $0x10;
	v25 =	vadd.f32 $1.000000000e+00, v25;
	v16 =	vadd.f32 v59, v16  }
0x13e: {  	s29 =	simm.s32 $0x8F20;
	v19 =	vadd.f32 v60, v19;
	v56 =	vpop (erf);
	(erf) = vrcp.f32 v24;
	v61 =	vshll.u32 v9, $0x10  }
0x13f: {  	[tilespmem:s29+$0x10] =	vst v23;
	v15 =	vmul.f32 v56, v15;
	v21 =	vadd.f32 v61, v21;
	v63 =	vmul.f32 $1.442695020e+00, v16  }
0x140: {  	[tilespmem:s29+$0xFFFFFFE0] =	vst v13;
	v13 =	vand.u32 $0xFFFF0000, v17;
	v19 =	vmul.f32 $1.442695020e+00, v19;
	(erf) = vrcp.f32 v25  }
0x141: {  	s22 =	simm.s32 $0x8F60;
	[tilespmem:s29+$0xFFFFFFF0] =	vst v11;
	v11 =	vadd.f32 v62, v20;
	v16 =	vmul.f32 $1.442695020e+00, v21;
	(erf) = vpow2.f32 v63  }
0x142: {  	s31 =	simm.s32 $0x8;
	s3 =	simm.s32 $0x17E0;
	v14 =	vand.u32 $0xFFFF0000, v18;
	[tilespmem:s22+$0x10] =	vst v15;
	v15 =	vand.u32 $0xFFFF0000, v53;
	(erf) = vpow2.f32 v19  }
.LBB2_11:
0x143: {  	v17 =	vld [tilespmem:s3+$0x10];
	v12 =	vadd.f32 v13, v12;
	v13 =	vadd.f32 v15, v14;
	s15 =	sadd.s32 $0x40, s15;
	(erf) = vpow2.f32 v16;
	v14 =	vpop (erf)  }
0x144: {  	s31 =	sadd.s32 $0x4, s31;
	v8 =	vand.u32 $0xFFFF0000, v8;
	v10 =	vand.u32 $0xFFFF0000, v10;
	v15 =	vld [tilespmem:s15+$0x10];
	v14 =	vadd.f32 $1.000000000e+00, v14  }
0x145: {  	v9 =	vand.u32 $0xFFFF0000, v9;
	s21 =	sadd.s32 $0x40, s21;
	p0 =	slt.u32 s31, $0x13C;
	v8 =	vadd.f32 v8, v11;
	v16 =	vld [tilespmem:s15+$0xFFFFFFE0];
	v18 =	vadd.f32 v10, v12;
	v11 =	vpop (erf)  }
0x146: {  	v9 =	vadd.f32 v9, v13;
	v12 =	vld [tilespmem:s21+$0x10];
	(erf) = vrcp.f32 v14;
	v11 =	vmul.f32 v11, v3  }
0x147: {  	v20 =	vmul.f32 v7, v0;
	v3 =	vmax.f32 v8, $0.0e+00;
	v13 =	vld [tilespmem:s3+$0xFFFFFFF0];
	v8 =	vmax.f32 v18, $0.0e+00;
	v10 =	vpop (erf)  }
0x148: {  	v0 =	vmovc v1;
	v1 =	vmax.f32 v9, $0.0e+00;
	v18 =	vld [tilespmem:s15+$0xFFFFFFF0];
	[tilespmem:s22+$0xFFFFFFE0] =	vst v11;
	v10 =	vmul.f32 v10, v2;
	v2 =	vmov v8  }
0x149: {  	v8 =	vshll.u32 v17, $0x10;
	v11 =	vld [tilespmem:s3+$0x0];
	v9 =	vshll.u32 v15, $0x10;
	v7 =	vpop (erf);
	[tilespmem:s29+$0x0] =	vst v20;
	s29 =	smov.u32 s22  }
0x14a: {  	v4 =	vand.u32 $0xFFFF0000, v4;
	v6 =	vand.u32 $0xFFFF0000, v6;
	v19 =	vld [tilespmem:s15+$0x0];
	v9 =	vadd.f32 v9, v8;
	v14 =	vpop (erf);
	[tilespmem:s22+$0xFFFFFFF0] =	vst v10  }
0x14b: {  	v26 =	vadd.f32 v6, v4;
	v21 =	vshll.u32 v16, $0x10;
	v20 =	vld [tilespmem:s3+$0xFFFFFFE0];
	v10 =	vshll.u32 v12, $0x10;
	v22 =	vpop (erf)  }
0x14c: {  	v27 =	vand.u32 $0xFFFF0000, v5;
	v8 =	vld [tilespmem:s21+$0xFFFFFFE0];
	v23 =	vshll.u32 v13, $0x10;
	v24 =	vadd.f32 v10, v9;
	v25 =	vpop (erf)  }
0x14d: {  	v27 =	vadd.f32 v27, v26;
	v4 =	vmovc v17;
	v6 =	vmovc v15;
	v14 =	vadd.f32 $1.000000000e+00, v14;
	v10 =	vld [tilespmem:s21+$0xFFFFFFF0];
	v9 =	vshll.u32 v18, $0x10  }
0x14e: {  	v5 =	vmovc v12;
	v15 =	vadd.f32 v9, v23;
	v9 =	vld [tilespmem:s21+$0x0];
	v17 =	vshll.u32 v11, $0x10;
	v23 =	vmul.f32 $1.442695020e+00, v24  }
0x14f: {  	v22 =	vadd.f32 $1.000000000e+00, v22;
	v24 =	vmax.f32 v27, $0.0e+00;
	v12 =	vshll.u32 v19, $0x10;
	v26 =	vpop (erf)  }
0x150: {  	v27 =	vshll.u32 v20, $0x10;
	(erf) = vpow2.f32 v23;
	v23 =	vmul.f32 v26, v24  }
0x151: {  	s22 =	sadd.s32 $0x40, s22;
	v12 =	vadd.f32 v12, v17;
	v21 =	vadd.f32 v21, v27;
	v24 =	vshll.u32 v8, $0x10  }
0x152: {  	v25 =	vadd.f32 $1.000000000e+00, v25;
	v17 =	vshll.u32 v10, $0x10;
	[tilespmem:s22+$0x10] =	vst v23;
	(erf) = vrcp.f32 v14  }
0x153: {  	v14 =	vadd.f32 v24, v21;
	v15 =	vadd.f32 v17, v15;
	v17 =	vshll.u32 v9, $0x10  }
.Ltmp10:
0x154: {  	v20 =	vand.u32 $0xFFFF0000, v20;
	v17 =	vadd.f32 v17, v12;
	(erf) = vrcp.f32 v22;
	(pc) =	sbr.rel @p0 .LBB2_11-.Ltmp10, $4  }
0x155: {  	v21 =	vand.u32 $0xFFFF0000, v16;
	v22 =	vmul.f32 $1.442695020e+00, v14;
	v23 =	vmul.f32 $1.442695020e+00, v15  }
0x156: {  	v12 =	vand.u32 $0xFFFF0000, v13;
	v16 =	vmul.f32 $1.442695020e+00, v17;
	(erf) = vrcp.f32 v25  }
0x157: {  	v13 =	vand.u32 $0xFFFF0000, v18;
	v14 =	vand.u32 $0xFFFF0000, v11;
	(erf) = vpow2.f32 v22  }
0x158: {  	s3 =	sadd.s32 $0x40, s3;
	v11 =	vadd.f32 v21, v20;
	v15 =	vand.u32 $0xFFFF0000, v19;
	(erf) = vpow2.f32 v23  }
0x159: {  	(erf) = vpow2.f32 v16;
	_ =	sdelay $0x2  }
0x15a: {  	v46 =	vpop (erf)  }
0x15b: {  	v17 =	vpop (erf)  }
0x15c: {  	v18 =	vpop (erf)  }
0x15d: {  	v19 =	vpop (erf)  }
0x15e: {  	v16 =	vadd.f32 $1.000000000e+00, v46;
	v20 =	vpop (erf)  }
0x15f: {  	v20 =	vadd.f32 $1.000000000e+00, v20;
	v47 =	vpop (erf)  }
0x160: {  	(erf) = vrcp.f32 v16;
	v48 =	vpop (erf);
	v16 =	vadd.f32 $1.000000000e+00, v47  }
0x161: {  	(erf) = vrcp.f32 v20;
	v20 =	vadd.f32 $1.000000000e+00, v48  }
0x162: {  	(erf) = vrcp.f32 v16  }
0x163: {  	(erf) = vrcp.f32 v20  }
0x164: {  	v4 =	vand.u32 $0xFFFF0000, v4;
	v6 =	vand.u32 $0xFFFF0000, v6;
	v49 =	vadd.f32 v13, v12  }
0x165: {  	v50 =	vadd.f32 v15, v14;
	v4 =	vadd.f32 v6, v4  }
0x166: {  	v5 =	vand.u32 $0xFFFF0000, v5;
	v8 =	vand.u32 $0xFFFF0000, v8;
	v0 =	vmul.f32 v7, v0  }
0x167: {  	v51 =	vand.u32 $0xFFFF0000, v10;
	v3 =	vmul.f32 v17, v3;
	v4 =	vadd.f32 v5, v4  }
0x168: {  	v54 =	vand.u32 $0xFFFF0000, v9;
	v8 =	vadd.f32 v8, v11;
	[tilespmem:s29+$0x0] =	vst v0;
	v2 =	vmul.f32 v18, v2  }
0x169: {  	v5 =	vadd.f32 v51, v49;
	[tilespmem:s22+$0xFFFFFFE0] =	vst v3;
	v52 =	vmax.f32 v4, $0.0e+00;
	v1 =	vmul.f32 v19, v1;
	v53 =	vpop (erf)  }
0x16a: {  	v58 =	vadd.f32 v54, v50;
	v55 =	vmax.f32 v8, $0.0e+00;
	[tilespmem:s22+$0xFFFFFFF0] =	vst v2;
	v56 =	vmul.f32 v53, v52;
	v57 =	vpop (erf)  }
0x16b: {  	s3 =	sadd.s32 $0x40, s22;
	v60 =	vmax.f32 v5, $0.0e+00;
	[tilespmem:s22+$0x0] =	vst v1;
	v59 =	vmul.f32 v57, v55;
	v61 =	vpop (erf)  }
0x16c: {  	v4 =	vmax.f32 v58, $0.0e+00;
	[tilespmem:s3+$0x10] =	vst v56;
	v0 =	vmul.f32 v61, v60;
	v62 =	vpop (erf)  }
0x16d: {  	[tilespmem:s3+$0xFFFFFFE0] =	vst v59;
	v63 =	vmul.f32 v62, v4  }
0x16e: {  	[tilespmem:s3+$0xFFFFFFF0] =	vst v0  }
.Ltmp11:
0x16f: {  	[tilespmem:s3+$0x0] =	vst v63;
	(pc) =	sbr.rel .LBB2_13-.Ltmp11, $4  }
0x170: {  	_ =	swait.ge [sflag:s14], $0x28  }
0x171: {  	[sflag:s14] =	ssyncset.done $0x0  }
0x172: {  	s31 =	simm.s32 $0x8F00;
	[sflag:s14] =	ssyncadd.s32 $0xFFFFFFD8  }
0x173: {  	[spmem:s4] =	stream.indirect.scatter.add.f32 [tilespmem:s31], [sflag:$0xA], $0x80, s0, s28, $0xb8;
	[tilespmem:$0x1E300] =	vst v63  }
.LBB2_15:
0x174: {  	_ =	sfence.sel $0x180000  }
0x175: {  	[bflag:$0x0] =	sbarrier.arrive $0xFFFF  }
0x176: {  	_ =	strace $0x90000047  }
0x177: {  	s0 =	stileid.u32;
	[bflag:$0x2] =	sbarrier.arrive $0xFFFF  }
0x178: {  	p0 =	sne.s32 s0, $0x0;
	s0 =	rddreg [dreg:$0x5]  }
0x179: {  	s0 =	sadd.s32 @!p0 $0x100000, s0  }
0x17a: {  	[sflag:s0] =	ssyncadd.tile.s32 @!p0 $0x1;
	_ =	shalt  }
.Lfunc_end2:
_tile_overlayer_lowered:
.L_overlay_start_2:
0x17b: {  	(tag) =	ssettag $0x2  }
0x17c: {  	s0 =	rddreg [dreg:$0x0];
	s2 =	stileid.u32  }
0x17d: {  	s1 =	rddreg [dreg:$0x1];
	p0 =	sne.s32 s2, $0x0  }
0x17e: {  	s3 =	rddreg [dreg:$0x2];
	[bflag:$0x3] =	sbarrier.arrive $0xFFFF;
	s2 =	simm.s32 @!p0 $0x1C0D  }
0x17f: {  	[timem:s3], [sflag:s2] =	dma.local @!p0 [hbm:s0], s1  }
0x180: {  	s0 =	simm.s32 @!p0 $0xD  }
0x181: {  	_ =	swait.ge @!p0 [sflag:s0], s1  }
0x182: {  	s1 =	ssub.s32 @!p0 $0x0, s1;
	[sflag:s0] =	ssyncset.done @!p0 $0x0  }
0x183: {  	[sflag:s0] =	ssyncadd.s32 @!p0 s1  }
0x184: {  	[bflag:$0x3] =	sbarrier.arrive $0xFFFF  }
0x185: {  	_ =	shalt  }

</sc_bundles>
